<compile_context>
chip_gen: v7x
topology: tpu7x:2x2x1
jax: 0.10.2.dev20260603
libtpu: 0.0.44.dev20260713+nightly
codegen_flags: <defaults>
</compile_context>

<pallas_src>
import functools

import jax
import jax.numpy as jnp
from jax import lax
from jax.experimental import pallas as pl
from jax.experimental.pallas import tpu as pltpu
from jax.experimental.pallas import tpu_sc as plsc

DIM = 128
CHUNK = 80
LANES = 16
QBLK = 32
RING = 5
DEPTH = 3


@functools.lru_cache(maxsize=None)
def _build(total):
    info = plsc.get_sparse_core_info()
    nc, ns = info.num_cores, info.num_subcores
    nw = nc * ns
    b_per_w = total // nw
    n_chunks = b_per_w // CHUNK
    assert total % (nw * CHUNK) == 0 and n_chunks % QBLK == 0
    assert n_chunks % RING == 0 and RING >= DEPTH + 2

    mesh = plsc.VectorSubcoreMesh(core_axis_name="c", subcore_axis_name="s")

    @functools.partial(
        pl.kernel,
        mesh=mesh,
        out_type=jax.ShapeDtypeStruct((total, DIM), jnp.float32),
        scratch_types=(
            [pltpu.VMEM((3, QBLK, CHUNK), jnp.int32)] * 2
            + [pltpu.VMEM((CHUNK, DIM), jnp.float32)] * (2 * RING)
            + [pltpu.SemaphoreType.DMA] * (3 * RING + 2)
        ),
    )
    def emb_kernel(w_ids, e_ids, w_tab, e_tab, out, *scratch):
        idxw, idxe = scratch[0], scratch[1]
        g1s = scratch[2:2 + RING]
        g2s = scratch[2 + RING:2 + 2 * RING]
        sems = scratch[2 + 2 * RING:]
        gwss = sems[0:RING]
        gess = sems[RING:2 * RING]
        wss = sems[2 * RING:3 * RING]
        ixw_sem, ixe_sem = sems[3 * RING], sems[3 * RING + 1]

        wid = lax.axis_index("s") * nc + lax.axis_index("c")
        cbase = wid * n_chunks
        n_blocks = n_chunks // QBLK

        def drain(sem, buf):
            pltpu.make_async_copy(w_tab.at[pl.ds(0, CHUNK)], buf, sem).wait()

        def start_load_idx(q):
            slot = lax.rem(q, 3)
            src = pl.ds(cbase + q * QBLK, QBLK)
            pltpu.async_copy(w_ids.at[src], idxw.at[slot], ixw_sem)
            pltpu.async_copy(e_ids.at[src], idxe.at[slot], ixe_sem)

        def wait_load_idx():
            pltpu.make_async_copy(w_ids.at[pl.ds(0, QBLK)], idxw.at[0],
                                  ixw_sem).wait()
            pltpu.make_async_copy(e_ids.at[pl.ds(0, QBLK)], idxe.at[0],
                                  ixe_sem).wait()

        def issue_gather(i, a):
            q = lax.div(i, QBLK)
            slot = lax.rem(q, 3)
            row = lax.rem(i, QBLK)
            pltpu.async_copy(w_tab.at[idxw.at[slot, row]], g1s[a], gwss[a])
            pltpu.async_copy(e_tab.at[idxe.at[slot, row]], g2s[a], gess[a])

        start_load_idx(0)
        wait_load_idx()
        start_load_idx(1)
        for p in range(DEPTH):
            issue_gather(p, p)

        def outer(i2, carry):
            for br in range(RING):
                i = RING * i2 + br
                g1, g2 = g1s[br], g2s[br]

                drain(gwss[br], g1)
                drain(gess[br], g2)

                def row_body(r, c):
                    for g in range(DIM // LANES):
                        sl = pl.ds(g * LANES, LANES)
                        plsc.addupdate(g1.at[r, sl], g2[r, sl])
                    return c

                lax.fori_loop(0, CHUNK, row_body, 0)

                pltpu.async_copy(g1, out.at[pl.ds((cbase + i) * CHUNK, CHUNK)],
                                 wss[br])

                nxt = i + DEPTH
                na = (br + DEPTH) % RING

                def prefetch():
                    @pl.when(lax.rem(nxt, QBLK) == 0)
                    def _():
                        wait_load_idx()

                        @pl.when(lax.div(nxt, QBLK) + 1 < n_blocks)
                        def _():
                            start_load_idx(lax.div(nxt, QBLK) + 1)

                    issue_gather(nxt, na)

                if br >= RING - DEPTH:
                    @pl.when(nxt < n_chunks)
                    def _():
                        drain(wss[na], g1s[na])
                        prefetch()
                else:
                    @pl.when(nxt < n_chunks)
                    def _():
                        @pl.when(i2 >= 1)
                        def _():
                            drain(wss[na], g1s[na])

                        prefetch()
            return carry

        lax.fori_loop(0, n_chunks // RING, outer, 0)
        for a in range(RING):
            drain(wss[a], g1s[a])

    return emb_kernel


def kernel(word_ids, extword_ids, word_table, ext_table):
    b, l = word_ids.shape
    total = b * l
    w_2d = word_ids.reshape(total // CHUNK, CHUNK).astype(jnp.int32)
    e_2d = extword_ids.reshape(total // CHUNK, CHUNK).astype(jnp.int32)
    out = _build(total)(w_2d, e_2d, word_table, ext_table)
    return out.reshape(b, l, DIM)

# --- scband reference (transcript-rebuilt; emitter-appended) ---
"""Pipeline reference for scband-embedding-39316130628038 (READ-ONLY COPY).

The authoritative reference and input builder live on the scoring server;
editing this copy changes nothing except your own understanding.
"""

import jax, jax.numpy as jnp
import numpy as np

VOCAB = 100000
EXT_VOCAB = 100000
DIM = 128
B = 4096
L = 200


def setup_inputs(seed: int = 0) -> dict:
    key = jax.random.key(seed)
    k1, k2, k3, k4 = jax.random.split(key, 4)
    word_ids = jax.random.randint(k1, (B, L), 0, VOCAB, dtype=jnp.int64 if jax.config.jax_enable_x64 else jnp.int32)
    extword_ids = jax.random.randint(k2, (B, L), 0, EXT_VOCAB, dtype=jnp.int64 if jax.config.jax_enable_x64 else jnp.int32)
    # Learned (trainable) word embedding table. The original torch code zero-inits it;
    # we use small random values so the computation is non-degenerate. padding_idx=0 -> row 0 zeroed.
    word_table = (jax.random.normal(k3, (VOCAB, DIM), dtype=jnp.float32) * 0.02).at[0].set(0.0)
    # Frozen pretrained (glove) table; requires_grad=False in the original.
    ext_table = (jax.random.normal(k4, (EXT_VOCAB, DIM), dtype=jnp.float32) * 0.02).at[0].set(0.0)
    return {"word_ids": word_ids, "extword_ids": extword_ids, "word_table": word_table, "ext_table": ext_table}


def reference(word_ids, extword_ids, word_table, ext_table):
    # word_embed = self.word_embed(word_ids)
    word_embed = jnp.take(word_table, word_ids, axis=0)
    # extword_embed = self.extword_embed(extword_ids)
    extword_embed = jnp.take(ext_table, extword_ids, axis=0)
    # batch_embed = word_embed + extword_embed  (eval mode: no dropout)
    batch_embed = word_embed + extword_embed
    return batch_embed

if __name__ == "__main__":
    import jax
    _d = setup_inputs()
    print(jax.jit(kernel)(*tuple(_d.values())))

</pallas_src>

<mosaic_0001>
#map = affine_map<(d0, d1) -> (0, 0)>
module attributes {stable_mosaic.version = 14 : i64} {
  func.func @emb_kernel(%arg0: i32, %arg1: i32, %arg2: memref<10240x80xi32, #tpu.memory_space<hbm>>, %arg3: memref<10240x80xi32, #tpu.memory_space<hbm>>, %arg4: memref<100000x128xf32, #tpu.memory_space<hbm>>, %arg5: memref<100000x128xf32, #tpu.memory_space<hbm>>, %arg6: memref<819200x128xf32, #tpu.memory_space<hbm>>, %arg7: memref<3x32x80xi32, #tpu.memory_space<vmem>>, %arg8: memref<3x32x80xi32, #tpu.memory_space<vmem>>, %arg9: memref<80x128xf32, #tpu.memory_space<vmem>>, %arg10: memref<80x128xf32, #tpu.memory_space<vmem>>, %arg11: memref<80x128xf32, #tpu.memory_space<vmem>>, %arg12: memref<80x128xf32, #tpu.memory_space<vmem>>, %arg13: memref<80x128xf32, #tpu.memory_space<vmem>>, %arg14: memref<80x128xf32, #tpu.memory_space<vmem>>, %arg15: memref<80x128xf32, #tpu.memory_space<vmem>>, %arg16: memref<80x128xf32, #tpu.memory_space<vmem>>, %arg17: memref<80x128xf32, #tpu.memory_space<vmem>>, %arg18: memref<80x128xf32, #tpu.memory_space<vmem>>, %arg19: memref<!tpu.dma_semaphore, #tpu.memory_space<semaphore_mem>>, %arg20: memref<!tpu.dma_semaphore, #tpu.memory_space<semaphore_mem>>, %arg21: memref<!tpu.dma_semaphore, #tpu.memory_space<semaphore_mem>>, %arg22: memref<!tpu.dma_semaphore, #tpu.memory_space<semaphore_mem>>, %arg23: memref<!tpu.dma_semaphore, #tpu.memory_space<semaphore_mem>>, %arg24: memref<!tpu.dma_semaphore, #tpu.memory_space<semaphore_mem>>, %arg25: memref<!tpu.dma_semaphore, #tpu.memory_space<semaphore_mem>>, %arg26: memref<!tpu.dma_semaphore, #tpu.memory_space<semaphore_mem>>, %arg27: memref<!tpu.dma_semaphore, #tpu.memory_space<semaphore_mem>>, %arg28: memref<!tpu.dma_semaphore, #tpu.memory_space<semaphore_mem>>, %arg29: memref<!tpu.dma_semaphore, #tpu.memory_space<semaphore_mem>>, %arg30: memref<!tpu.dma_semaphore, #tpu.memory_space<semaphore_mem>>, %arg31: memref<!tpu.dma_semaphore, #tpu.memory_space<semaphore_mem>>, %arg32: memref<!tpu.dma_semaphore, #tpu.memory_space<semaphore_mem>>, %arg33: memref<!tpu.dma_semaphore, #tpu.memory_space<semaphore_mem>>, %arg34: memref<!tpu.dma_semaphore, #tpu.memory_space<semaphore_mem>>, %arg35: memref<!tpu.dma_semaphore, #tpu.memory_space<semaphore_mem>>) attributes {dimension_semantics = [#tpu.dimension_semantics<core_parallel>, #tpu.dimension_semantics<subcore_parallel>], iteration_bounds = array<i64: 2, 16>, scalar_prefetch = 0 : i64, scratch_operands = 29 : i64, tpu.core_type = #tpu.core_type<sc_vector_subcore>, window_params = [{transform_indices = #map}, {transform_indices = #map}, {transform_indices = #map}, {transform_indices = #map}, {transform_indices = #map}]} {
    %mul3A = arith.constant 2 : i32
    %mul3A_0 = arith.muli %arg1, %mul3A : i32
    %add3A = arith.addi %mul3A_0, %arg0 : i32
    %mul3A_1 = arith.constant 320 : i32
    %mul3A_2 = arith.muli %add3A, %mul3A_1 : i32
    %rem3A = arith.constant 0 : i32
    %rem3A_3 = arith.constant 3 : i32
    %rem3A_4 = arith.remsi %rem3A, %rem3A_3 : i32
    %add3A_5 = arith.constant 0 : i32
    %add3A_6 = arith.addi %mul3A_2, %add3A_5 : i32
    %dma_start3A = arith.constant 0 : i32
    %dma_start3A_7 = arith.constant 0 : i32
    %dma_start3A_8 = tpu.memref_slice %arg7[%rem3A_4, %dma_start3A, %dma_start3A_7] : memref<3x32x80xi32, #tpu.memory_space<vmem>> -> memref<1x32x80xi32, #tpu.memory_space<vmem>>
    %dma_start3A_9 = tpu.memref_squeeze %dma_start3A_8 : memref<1x32x80xi32, #tpu.memory_space<vmem>> -> memref<32x80xi32, #tpu.memory_space<vmem>>
    %dma_start3A_10 = arith.constant 0 : i32
    %dma_start3A_11 = tpu.memref_slice %arg2[%add3A_6, %dma_start3A_10] : memref<10240x80xi32, #tpu.memory_space<hbm>> -> memref<32x80xi32, #tpu.memory_space<hbm>>
    %dma_start3A_12 = arith.constant 0 : i32
    %dma_start3A_13 = arith.constant 0 : i32
    %dma_start3A_14 = tpu.memref_slice %arg7[%rem3A_4, %dma_start3A_12, %dma_start3A_13] : memref<3x32x80xi32, #tpu.memory_space<vmem>> -> memref<1x32x80xi32, #tpu.memory_space<vmem>>
    %dma_start3A_15 = tpu.memref_squeeze %dma_start3A_14 : memref<1x32x80xi32, #tpu.memory_space<vmem>> -> memref<32x80xi32, #tpu.memory_space<vmem>>
    %dma_start3A_16 = arith.constant 0 : i32
    %dma_start3A_17 = tpu.memref_slice %arg2[%add3A_6, %dma_start3A_16] : memref<10240x80xi32, #tpu.memory_space<hbm>> -> memref<32x80xi32, #tpu.memory_space<hbm>>
    tpu.enqueue_dma source(%dma_start3A_17 : memref<32x80xi32, #tpu.memory_space<hbm>>) target(%dma_start3A_15 : memref<32x80xi32, #tpu.memory_space<vmem>>) target_semaphore(%arg34 : memref<!tpu.dma_semaphore, #tpu.memory_space<semaphore_mem>>)
    %dma_start3A_18 = arith.constant 0 : i32
    %dma_start3A_19 = arith.constant 0 : i32
    %dma_start3A_20 = tpu.memref_slice %arg8[%rem3A_4, %dma_start3A_18, %dma_start3A_19] : memref<3x32x80xi32, #tpu.memory_space<vmem>> -> memref<1x32x80xi32, #tpu.memory_space<vmem>>
    %dma_start3A_21 = tpu.memref_squeeze %dma_start3A_20 : memref<1x32x80xi32, #tpu.memory_space<vmem>> -> memref<32x80xi32, #tpu.memory_space<vmem>>
    %dma_start3A_22 = arith.constant 0 : i32
    %dma_start3A_23 = tpu.memref_slice %arg3[%add3A_6, %dma_start3A_22] : memref<10240x80xi32, #tpu.memory_space<hbm>> -> memref<32x80xi32, #tpu.memory_space<hbm>>
    %dma_start3A_24 = arith.constant 0 : i32
    %dma_start3A_25 = arith.constant 0 : i32
    %dma_start3A_26 = tpu.memref_slice %arg8[%rem3A_4, %dma_start3A_24, %dma_start3A_25] : memref<3x32x80xi32, #tpu.memory_space<vmem>> -> memref<1x32x80xi32, #tpu.memory_space<vmem>>
    %dma_start3A_27 = tpu.memref_squeeze %dma_start3A_26 : memref<1x32x80xi32, #tpu.memory_space<vmem>> -> memref<32x80xi32, #tpu.memory_space<vmem>>
    %dma_start3A_28 = arith.constant 0 : i32
    %dma_start3A_29 = tpu.memref_slice %arg3[%add3A_6, %dma_start3A_28] : memref<10240x80xi32, #tpu.memory_space<hbm>> -> memref<32x80xi32, #tpu.memory_space<hbm>>
    tpu.enqueue_dma source(%dma_start3A_29 : memref<32x80xi32, #tpu.memory_space<hbm>>) target(%dma_start3A_27 : memref<32x80xi32, #tpu.memory_space<vmem>>) target_semaphore(%arg35 : memref<!tpu.dma_semaphore, #tpu.memory_space<semaphore_mem>>)
    %dma_wait3A = arith.constant 0 : i32
    %dma_wait3A_30 = arith.constant 0 : i32
    %dma_wait3A_31 = arith.constant 0 : i32
    %dma_wait3A_32 = tpu.memref_slice %arg7[%dma_wait3A, %dma_wait3A_30, %dma_wait3A_31] : memref<3x32x80xi32, #tpu.memory_space<vmem>> -> memref<1x32x80xi32, #tpu.memory_space<vmem>>
    %dma_wait3A_33 = tpu.memref_squeeze %dma_wait3A_32 : memref<1x32x80xi32, #tpu.memory_space<vmem>> -> memref<32x80xi32, #tpu.memory_space<vmem>>
    %dma_wait3A_34 = arith.constant 0 : i32
    %dma_wait3A_35 = arith.constant 0 : i32
    %dma_wait3A_36 = tpu.memref_slice %arg2[%dma_wait3A_34, %dma_wait3A_35] : memref<10240x80xi32, #tpu.memory_space<hbm>> -> memref<32x80xi32, #tpu.memory_space<hbm>>
    %dma_wait3A_37 = arith.constant 0 : i32
    %dma_wait3A_38 = arith.constant 0 : i32
    %dma_wait3A_39 = tpu.memref_slice %arg7[%dma_wait3A, %dma_wait3A_37, %dma_wait3A_38] : memref<3x32x80xi32, #tpu.memory_space<vmem>> -> memref<1x32x80xi32, #tpu.memory_space<vmem>>
    %dma_wait3A_40 = tpu.memref_squeeze %dma_wait3A_39 : memref<1x32x80xi32, #tpu.memory_space<vmem>> -> memref<32x80xi32, #tpu.memory_space<vmem>>
    %dma_wait3A_41 = arith.constant 0 : i32
    %dma_wait3A_42 = arith.constant 0 : i32
    %dma_wait3A_43 = tpu.memref_slice %arg2[%dma_wait3A_41, %dma_wait3A_42] : memref<10240x80xi32, #tpu.memory_space<hbm>> -> memref<32x80xi32, #tpu.memory_space<hbm>>
    tpu.wait_dma2 semaphore(%arg34 : memref<!tpu.dma_semaphore, #tpu.memory_space<semaphore_mem>>) src(%dma_wait3A_43 : memref<32x80xi32, #tpu.memory_space<hbm>>) dst(%dma_wait3A_40 : memref<32x80xi32, #tpu.memory_space<vmem>>)
    %dma_wait3A_44 = arith.constant 0 : i32
    %dma_wait3A_45 = arith.constant 0 : i32
    %dma_wait3A_46 = arith.constant 0 : i32
    %dma_wait3A_47 = tpu.memref_slice %arg8[%dma_wait3A_44, %dma_wait3A_45, %dma_wait3A_46] : memref<3x32x80xi32, #tpu.memory_space<vmem>> -> memref<1x32x80xi32, #tpu.memory_space<vmem>>
    %dma_wait3A_48 = tpu.memref_squeeze %dma_wait3A_47 : memref<1x32x80xi32, #tpu.memory_space<vmem>> -> memref<32x80xi32, #tpu.memory_space<vmem>>
    %dma_wait3A_49 = arith.constant 0 : i32
    %dma_wait3A_50 = arith.constant 0 : i32
    %dma_wait3A_51 = tpu.memref_slice %arg3[%dma_wait3A_49, %dma_wait3A_50] : memref<10240x80xi32, #tpu.memory_space<hbm>> -> memref<32x80xi32, #tpu.memory_space<hbm>>
    %dma_wait3A_52 = arith.constant 0 : i32
    %dma_wait3A_53 = arith.constant 0 : i32
    %dma_wait3A_54 = tpu.memref_slice %arg8[%dma_wait3A_44, %dma_wait3A_52, %dma_wait3A_53] : memref<3x32x80xi32, #tpu.memory_space<vmem>> -> memref<1x32x80xi32, #tpu.memory_space<vmem>>
    %dma_wait3A_55 = tpu.memref_squeeze %dma_wait3A_54 : memref<1x32x80xi32, #tpu.memory_space<vmem>> -> memref<32x80xi32, #tpu.memory_space<vmem>>
    %dma_wait3A_56 = arith.constant 0 : i32
    %dma_wait3A_57 = arith.constant 0 : i32
    %dma_wait3A_58 = tpu.memref_slice %arg3[%dma_wait3A_56, %dma_wait3A_57] : memref<10240x80xi32, #tpu.memory_space<hbm>> -> memref<32x80xi32, #tpu.memory_space<hbm>>
    tpu.wait_dma2 semaphore(%arg35 : memref<!tpu.dma_semaphore, #tpu.memory_space<semaphore_mem>>) src(%dma_wait3A_58 : memref<32x80xi32, #tpu.memory_space<hbm>>) dst(%dma_wait3A_55 : memref<32x80xi32, #tpu.memory_space<vmem>>)
    %rem3A_59 = arith.constant 1 : i32
    %rem3A_60 = arith.constant 3 : i32
    %rem3A_61 = arith.remsi %rem3A_59, %rem3A_60 : i32
    %add3A_62 = arith.constant 32 : i32
    %add3A_63 = arith.addi %mul3A_2, %add3A_62 : i32
    %dma_start3A_64 = arith.constant 0 : i32
    %dma_start3A_65 = arith.constant 0 : i32
    %dma_start3A_66 = tpu.memref_slice %arg7[%rem3A_61, %dma_start3A_64, %dma_start3A_65] : memref<3x32x80xi32, #tpu.memory_space<vmem>> -> memref<1x32x80xi32, #tpu.memory_space<vmem>>
    %dma_start3A_67 = tpu.memref_squeeze %dma_start3A_66 : memref<1x32x80xi32, #tpu.memory_space<vmem>> -> memref<32x80xi32, #tpu.memory_space<vmem>>
    %dma_start3A_68 = arith.constant 0 : i32
    %dma_start3A_69 = tpu.memref_slice %arg2[%add3A_63, %dma_start3A_68] : memref<10240x80xi32, #tpu.memory_space<hbm>> -> memref<32x80xi32, #tpu.memory_space<hbm>>
    %dma_start3A_70 = arith.constant 0 : i32
    %dma_start3A_71 = arith.constant 0 : i32
    %dma_start3A_72 = tpu.memref_slice %arg7[%rem3A_61, %dma_start3A_70, %dma_start3A_71] : memref<3x32x80xi32, #tpu.memory_space<vmem>> -> memref<1x32x80xi32, #tpu.memory_space<vmem>>
    %dma_start3A_73 = tpu.memref_squeeze %dma_start3A_72 : memref<1x32x80xi32, #tpu.memory_space<vmem>> -> memref<32x80xi32, #tpu.memory_space<vmem>>
    %dma_start3A_74 = arith.constant 0 : i32
    %dma_start3A_75 = tpu.memref_slice %arg2[%add3A_63, %dma_start3A_74] : memref<10240x80xi32, #tpu.memory_space<hbm>> -> memref<32x80xi32, #tpu.memory_space<hbm>>
    tpu.enqueue_dma source(%dma_start3A_75 : memref<32x80xi32, #tpu.memory_space<hbm>>) target(%dma_start3A_73 : memref<32x80xi32, #tpu.memory_space<vmem>>) target_semaphore(%arg34 : memref<!tpu.dma_semaphore, #tpu.memory_space<semaphore_mem>>)
    %dma_start3A_76 = arith.constant 0 : i32
    %dma_start3A_77 = arith.constant 0 : i32
    %dma_start3A_78 = tpu.memref_slice %arg8[%rem3A_61, %dma_start3A_76, %dma_start3A_77] : memref<3x32x80xi32, #tpu.memory_space<vmem>> -> memref<1x32x80xi32, #tpu.memory_space<vmem>>
    %dma_start3A_79 = tpu.memref_squeeze %dma_start3A_78 : memref<1x32x80xi32, #tpu.memory_space<vmem>> -> memref<32x80xi32, #tpu.memory_space<vmem>>
    %dma_start3A_80 = arith.constant 0 : i32
    %dma_start3A_81 = tpu.memref_slice %arg3[%add3A_63, %dma_start3A_80] : memref<10240x80xi32, #tpu.memory_space<hbm>> -> memref<32x80xi32, #tpu.memory_space<hbm>>
    %dma_start3A_82 = arith.constant 0 : i32
    %dma_start3A_83 = arith.constant 0 : i32
    %dma_start3A_84 = tpu.memref_slice %arg8[%rem3A_61, %dma_start3A_82, %dma_start3A_83] : memref<3x32x80xi32, #tpu.memory_space<vmem>> -> memref<1x32x80xi32, #tpu.memory_space<vmem>>
    %dma_start3A_85 = tpu.memref_squeeze %dma_start3A_84 : memref<1x32x80xi32, #tpu.memory_space<vmem>> -> memref<32x80xi32, #tpu.memory_space<vmem>>
    %dma_start3A_86 = arith.constant 0 : i32
    %dma_start3A_87 = tpu.memref_slice %arg3[%add3A_63, %dma_start3A_86] : memref<10240x80xi32, #tpu.memory_space<hbm>> -> memref<32x80xi32, #tpu.memory_space<hbm>>
    tpu.enqueue_dma source(%dma_start3A_87 : memref<32x80xi32, #tpu.memory_space<hbm>>) target(%dma_start3A_85 : memref<32x80xi32, #tpu.memory_space<vmem>>) target_semaphore(%arg35 : memref<!tpu.dma_semaphore, #tpu.memory_space<semaphore_mem>>)
    %div3A = arith.constant 0 : i32
    %div3A_88 = arith.constant 32 : i32
    %div3A_89 = arith.divsi %div3A, %div3A_88 : i32
    %rem3A_90 = arith.constant 3 : i32
    %rem3A_91 = arith.remsi %div3A_89, %rem3A_90 : i32
    %rem3A_92 = arith.constant 0 : i32
    %rem3A_93 = arith.constant 32 : i32
    %rem3A_94 = arith.remsi %rem3A_92, %rem3A_93 : i32
    %dma_start3A_95 = arith.constant 0 : i32
    %dma_start3A_96 = tpu.memref_slice %arg7[%rem3A_91, %rem3A_94, %dma_start3A_95] : memref<3x32x80xi32, #tpu.memory_space<vmem>> -> memref<1x1x80xi32, #tpu.memory_space<vmem>>
    %dma_start3A_97 = tpu.memref_squeeze %dma_start3A_96 : memref<1x1x80xi32, #tpu.memory_space<vmem>> -> memref<80xi32, #tpu.memory_space<vmem>>
    %dma_start3A_98 = arith.constant 0 : i32
    %dma_start3A_99 = arith.constant 0 : i32
    %dma_start3A_100 = tpu.memref_slice %arg4[%dma_start3A_98, %dma_start3A_99] : memref<100000x128xf32, #tpu.memory_space<hbm>> -> memref<100000x128xf32, #tpu.memory_space<hbm>>
    tpu.enqueue_indirect_dma source(%dma_start3A_100 : memref<100000x128xf32, #tpu.memory_space<hbm>>) target(%arg9 : memref<80x128xf32, #tpu.memory_space<vmem>>) offsets(%dma_start3A_97 : memref<80xi32, #tpu.memory_space<vmem>>) semaphore(%arg19 : memref<!tpu.dma_semaphore, #tpu.memory_space<semaphore_mem>>)
    %dma_start3A_101 = arith.constant 0 : i32
    %dma_start3A_102 = tpu.memref_slice %arg8[%rem3A_91, %rem3A_94, %dma_start3A_101] : memref<3x32x80xi32, #tpu.memory_space<vmem>> -> memref<1x1x80xi32, #tpu.memory_space<vmem>>
    %dma_start3A_103 = tpu.memref_squeeze %dma_start3A_102 : memref<1x1x80xi32, #tpu.memory_space<vmem>> -> memref<80xi32, #tpu.memory_space<vmem>>
    %dma_start3A_104 = arith.constant 0 : i32
    %dma_start3A_105 = arith.constant 0 : i32
    %dma_start3A_106 = tpu.memref_slice %arg5[%dma_start3A_104, %dma_start3A_105] : memref<100000x128xf32, #tpu.memory_space<hbm>> -> memref<100000x128xf32, #tpu.memory_space<hbm>>
    tpu.enqueue_indirect_dma source(%dma_start3A_106 : memref<100000x128xf32, #tpu.memory_space<hbm>>) target(%arg14 : memref<80x128xf32, #tpu.memory_space<vmem>>) offsets(%dma_start3A_103 : memref<80xi32, #tpu.memory_space<vmem>>) semaphore(%arg24 : memref<!tpu.dma_semaphore, #tpu.memory_space<semaphore_mem>>)
    %div3A_107 = arith.constant 1 : i32
    %div3A_108 = arith.constant 32 : i32
    %div3A_109 = arith.divsi %div3A_107, %div3A_108 : i32
    %rem3A_110 = arith.constant 3 : i32
    %rem3A_111 = arith.remsi %div3A_109, %rem3A_110 : i32
    %rem3A_112 = arith.constant 1 : i32
    %rem3A_113 = arith.constant 32 : i32
    %rem3A_114 = arith.remsi %rem3A_112, %rem3A_113 : i32
    %dma_start3A_115 = arith.constant 0 : i32
    %dma_start3A_116 = tpu.memref_slice %arg7[%rem3A_111, %rem3A_114, %dma_start3A_115] : memref<3x32x80xi32, #tpu.memory_space<vmem>> -> memref<1x1x80xi32, #tpu.memory_space<vmem>>
    %dma_start3A_117 = tpu.memref_squeeze %dma_start3A_116 : memref<1x1x80xi32, #tpu.memory_space<vmem>> -> memref<80xi32, #tpu.memory_space<vmem>>
    %dma_start3A_118 = arith.constant 0 : i32
    %dma_start3A_119 = arith.constant 0 : i32
    %dma_start3A_120 = tpu.memref_slice %arg4[%dma_start3A_118, %dma_start3A_119] : memref<100000x128xf32, #tpu.memory_space<hbm>> -> memref<100000x128xf32, #tpu.memory_space<hbm>>
    tpu.enqueue_indirect_dma source(%dma_start3A_120 : memref<100000x128xf32, #tpu.memory_space<hbm>>) target(%arg10 : memref<80x128xf32, #tpu.memory_space<vmem>>) offsets(%dma_start3A_117 : memref<80xi32, #tpu.memory_space<vmem>>) semaphore(%arg20 : memref<!tpu.dma_semaphore, #tpu.memory_space<semaphore_mem>>)
    %dma_start3A_121 = arith.constant 0 : i32
    %dma_start3A_122 = tpu.memref_slice %arg8[%rem3A_111, %rem3A_114, %dma_start3A_121] : memref<3x32x80xi32, #tpu.memory_space<vmem>> -> memref<1x1x80xi32, #tpu.memory_space<vmem>>
    %dma_start3A_123 = tpu.memref_squeeze %dma_start3A_122 : memref<1x1x80xi32, #tpu.memory_space<vmem>> -> memref<80xi32, #tpu.memory_space<vmem>>
    %dma_start3A_124 = arith.constant 0 : i32
    %dma_start3A_125 = arith.constant 0 : i32
    %dma_start3A_126 = tpu.memref_slice %arg5[%dma_start3A_124, %dma_start3A_125] : memref<100000x128xf32, #tpu.memory_space<hbm>> -> memref<100000x128xf32, #tpu.memory_space<hbm>>
    tpu.enqueue_indirect_dma source(%dma_start3A_126 : memref<100000x128xf32, #tpu.memory_space<hbm>>) target(%arg15 : memref<80x128xf32, #tpu.memory_space<vmem>>) offsets(%dma_start3A_123 : memref<80xi32, #tpu.memory_space<vmem>>) semaphore(%arg25 : memref<!tpu.dma_semaphore, #tpu.memory_space<semaphore_mem>>)
    %div3A_127 = arith.constant 2 : i32
    %div3A_128 = arith.constant 32 : i32
    %div3A_129 = arith.divsi %div3A_127, %div3A_128 : i32
    %rem3A_130 = arith.constant 3 : i32
    %rem3A_131 = arith.remsi %div3A_129, %rem3A_130 : i32
    %rem3A_132 = arith.constant 2 : i32
    %rem3A_133 = arith.constant 32 : i32
    %rem3A_134 = arith.remsi %rem3A_132, %rem3A_133 : i32
    %dma_start3A_135 = arith.constant 0 : i32
    %dma_start3A_136 = tpu.memref_slice %arg7[%rem3A_131, %rem3A_134, %dma_start3A_135] : memref<3x32x80xi32, #tpu.memory_space<vmem>> -> memref<1x1x80xi32, #tpu.memory_space<vmem>>
    %dma_start3A_137 = tpu.memref_squeeze %dma_start3A_136 : memref<1x1x80xi32, #tpu.memory_space<vmem>> -> memref<80xi32, #tpu.memory_space<vmem>>
    %dma_start3A_138 = arith.constant 0 : i32
    %dma_start3A_139 = arith.constant 0 : i32
    %dma_start3A_140 = tpu.memref_slice %arg4[%dma_start3A_138, %dma_start3A_139] : memref<100000x128xf32, #tpu.memory_space<hbm>> -> memref<100000x128xf32, #tpu.memory_space<hbm>>
    tpu.enqueue_indirect_dma source(%dma_start3A_140 : memref<100000x128xf32, #tpu.memory_space<hbm>>) target(%arg11 : memref<80x128xf32, #tpu.memory_space<vmem>>) offsets(%dma_start3A_137 : memref<80xi32, #tpu.memory_space<vmem>>) semaphore(%arg21 : memref<!tpu.dma_semaphore, #tpu.memory_space<semaphore_mem>>)
    %dma_start3A_141 = arith.constant 0 : i32
    %dma_start3A_142 = tpu.memref_slice %arg8[%rem3A_131, %rem3A_134, %dma_start3A_141] : memref<3x32x80xi32, #tpu.memory_space<vmem>> -> memref<1x1x80xi32, #tpu.memory_space<vmem>>
    %dma_start3A_143 = tpu.memref_squeeze %dma_start3A_142 : memref<1x1x80xi32, #tpu.memory_space<vmem>> -> memref<80xi32, #tpu.memory_space<vmem>>
    %dma_start3A_144 = arith.constant 0 : i32
    %dma_start3A_145 = arith.constant 0 : i32
    %dma_start3A_146 = tpu.memref_slice %arg5[%dma_start3A_144, %dma_start3A_145] : memref<100000x128xf32, #tpu.memory_space<hbm>> -> memref<100000x128xf32, #tpu.memory_space<hbm>>
    tpu.enqueue_indirect_dma source(%dma_start3A_146 : memref<100000x128xf32, #tpu.memory_space<hbm>>) target(%arg16 : memref<80x128xf32, #tpu.memory_space<vmem>>) offsets(%dma_start3A_143 : memref<80xi32, #tpu.memory_space<vmem>>) semaphore(%arg26 : memref<!tpu.dma_semaphore, #tpu.memory_space<semaphore_mem>>)
    %scan3A = arith.constant 0 : i32
    %scan3A_147 = arith.constant 0 : i32
    %scan3A_148 = arith.constant 64 : i32
    %scan3A_149 = arith.addi %scan3A_147, %scan3A_148 : i32
    %scan3A_150 = arith.constant 1 : i32
    scf.for %scan3A_182 = %scan3A_147 to %scan3A_149 step %scan3A_150  : i32 {
      %mul3A_183 = arith.constant 5 : i32
      %mul3A_184 = arith.muli %mul3A_183, %scan3A_182 : i32
      %add3A_185 = arith.constant 0 : i32
      %add3A_186 = arith.addi %mul3A_184, %add3A_185 : i32
      %dma_wait3A_187 = arith.constant 0 : i32
      %dma_wait3A_188 = arith.constant 0 : i32
      %dma_wait3A_189 = tpu.memref_slice %arg4[%dma_wait3A_187, %dma_wait3A_188] : memref<100000x128xf32, #tpu.memory_space<hbm>> -> memref<80x128xf32, #tpu.memory_space<hbm>>
      %dma_wait3A_190 = arith.constant 0 : i32
      %dma_wait3A_191 = arith.constant 0 : i32
      %dma_wait3A_192 = tpu.memref_slice %arg4[%dma_wait3A_190, %dma_wait3A_191] : memref<100000x128xf32, #tpu.memory_space<hbm>> -> memref<80x128xf32, #tpu.memory_space<hbm>>
      tpu.wait_dma2 semaphore(%arg19 : memref<!tpu.dma_semaphore, #tpu.memory_space<semaphore_mem>>) src(%dma_wait3A_192 : memref<80x128xf32, #tpu.memory_space<hbm>>) dst(%arg9 : memref<80x128xf32, #tpu.memory_space<vmem>>)
      %dma_wait3A_193 = arith.constant 0 : i32
      %dma_wait3A_194 = arith.constant 0 : i32
      %dma_wait3A_195 = tpu.memref_slice %arg4[%dma_wait3A_193, %dma_wait3A_194] : memref<100000x128xf32, #tpu.memory_space<hbm>> -> memref<80x128xf32, #tpu.memory_space<hbm>>
      %dma_wait3A_196 = arith.constant 0 : i32
      %dma_wait3A_197 = arith.constant 0 : i32
      %dma_wait3A_198 = tpu.memref_slice %arg4[%dma_wait3A_196, %dma_wait3A_197] : memref<100000x128xf32, #tpu.memory_space<hbm>> -> memref<80x128xf32, #tpu.memory_space<hbm>>
      tpu.wait_dma2 semaphore(%arg24 : memref<!tpu.dma_semaphore, #tpu.memory_space<semaphore_mem>>) src(%dma_wait3A_198 : memref<80x128xf32, #tpu.memory_space<hbm>>) dst(%arg14 : memref<80x128xf32, #tpu.memory_space<vmem>>)
      %scan3A_199 = arith.constant 0 : i32
      %scan3A_200 = arith.constant 0 : i32
      %scan3A_201 = arith.constant 80 : i32
      %scan3A_202 = arith.addi %scan3A_200, %scan3A_201 : i32
      %scan3A_203 = arith.constant 1 : i32
      scf.for %scan3A_360 = %scan3A_200 to %scan3A_202 step %scan3A_203  : i32 {
        %get3A = arith.index_cast %scan3A_360 : i32 to index
        %get3A_361 = arith.constant 0 : index
        %get3A_362 = tpu.vector_load %arg14[%get3A, %get3A_361] {strides = array<i32>} : memref<80x128xf32, #tpu.memory_space<vmem>>, vector<1x16xf32>,
        %get3A_363 = vector.shape_cast %get3A_362 : vector<1x16xf32> to vector<16xf32>
        %swap3A = arith.index_cast %scan3A_360 : i32 to index
        %swap3A_364 = arith.constant 0 : index
        %swap3A_365 = tpu.vector_load %arg9[%swap3A, %swap3A_364] {strides = array<i32>} : memref<80x128xf32, #tpu.memory_space<vmem>>, vector<1x16xf32>,
        %swap3A_366 = vector.shape_cast %swap3A_365 : vector<1x16xf32> to vector<16xf32>
        %swap3A_367 = vector.shape_cast %get3A_363 : vector<16xf32> to vector<1x16xf32>
        tpu.vector_store %arg9[%swap3A, %swap3A_364], %swap3A_367 {add = true, strides = array<i32>} : memref<80x128xf32, #tpu.memory_space<vmem>>, vector<1x16xf32>,
        %get3A_368 = arith.index_cast %scan3A_360 : i32 to index
        %get3A_369 = arith.constant 16 : index
        %get3A_370 = tpu.vector_load %arg14[%get3A_368, %get3A_369] {strides = array<i32>} : memref<80x128xf32, #tpu.memory_space<vmem>>, vector<1x16xf32>,
        %get3A_371 = vector.shape_cast %get3A_370 : vector<1x16xf32> to vector<16xf32>
        %swap3A_372 = arith.index_cast %scan3A_360 : i32 to index
        %swap3A_373 = arith.constant 16 : index
        %swap3A_374 = tpu.vector_load %arg9[%swap3A_372, %swap3A_373] {strides = array<i32>} : memref<80x128xf32, #tpu.memory_space<vmem>>, vector<1x16xf32>,
        %swap3A_375 = vector.shape_cast %swap3A_374 : vector<1x16xf32> to vector<16xf32>
        %swap3A_376 = vector.shape_cast %get3A_371 : vector<16xf32> to vector<1x16xf32>
        tpu.vector_store %arg9[%swap3A_372, %swap3A_373], %swap3A_376 {add = true, strides = array<i32>} : memref<80x128xf32, #tpu.memory_space<vmem>>, vector<1x16xf32>,
        %get3A_377 = arith.index_cast %scan3A_360 : i32 to index
        %get3A_378 = arith.constant 32 : index
        %get3A_379 = tpu.vector_load %arg14[%get3A_377, %get3A_378] {strides = array<i32>} : memref<80x128xf32, #tpu.memory_space<vmem>>, vector<1x16xf32>,
        %get3A_380 = vector.shape_cast %get3A_379 : vector<1x16xf32> to vector<16xf32>
        %swap3A_381 = arith.index_cast %scan3A_360 : i32 to index
        %swap3A_382 = arith.constant 32 : index
        %swap3A_383 = tpu.vector_load %arg9[%swap3A_381, %swap3A_382] {strides = array<i32>} : memref<80x128xf32, #tpu.memory_space<vmem>>, vector<1x16xf32>,
        %swap3A_384 = vector.shape_cast %swap3A_383 : vector<1x16xf32> to vector<16xf32>
        %swap3A_385 = vector.shape_cast %get3A_380 : vector<16xf32> to vector<1x16xf32>
        tpu.vector_store %arg9[%swap3A_381, %swap3A_382], %swap3A_385 {add = true, strides = array<i32>} : memref<80x128xf32, #tpu.memory_space<vmem>>, vector<1x16xf32>,
        %get3A_386 = arith.index_cast %scan3A_360 : i32 to index
        %get3A_387 = arith.constant 48 : index
        %get3A_388 = tpu.vector_load %arg14[%get3A_386, %get3A_387] {strides = array<i32>} : memref<80x128xf32, #tpu.memory_space<vmem>>, vector<1x16xf32>,
        %get3A_389 = vector.shape_cast %get3A_388 : vector<1x16xf32> to vector<16xf32>
        %swap3A_390 = arith.index_cast %scan3A_360 : i32 to index
        %swap3A_391 = arith.constant 48 : index
        %swap3A_392 = tpu.vector_load %arg9[%swap3A_390, %swap3A_391] {strides = array<i32>} : memref<80x128xf32, #tpu.memory_space<vmem>>, vector<1x16xf32>,
        %swap3A_393 = vector.shape_cast %swap3A_392 : vector<1x16xf32> to vector<16xf32>
        %swap3A_394 = vector.shape_cast %get3A_389 : vector<16xf32> to vector<1x16xf32>
        tpu.vector_store %arg9[%swap3A_390, %swap3A_391], %swap3A_394 {add = true, strides = array<i32>} : memref<80x128xf32, #tpu.memory_space<vmem>>, vector<1x16xf32>,
        %get3A_395 = arith.index_cast %scan3A_360 : i32 to index
        %get3A_396 = arith.constant 64 : index
        %get3A_397 = tpu.vector_load %arg14[%get3A_395, %get3A_396] {strides = array<i32>} : memref<80x128xf32, #tpu.memory_space<vmem>>, vector<1x16xf32>,
        %get3A_398 = vector.shape_cast %get3A_397 : vector<1x16xf32> to vector<16xf32>
        %swap3A_399 = arith.index_cast %scan3A_360 : i32 to index
        %swap3A_400 = arith.constant 64 : index
        %swap3A_401 = tpu.vector_load %arg9[%swap3A_399, %swap3A_400] {strides = array<i32>} : memref<80x128xf32, #tpu.memory_space<vmem>>, vector<1x16xf32>,
        %swap3A_402 = vector.shape_cast %swap3A_401 : vector<1x16xf32> to vector<16xf32>
        %swap3A_403 = vector.shape_cast %get3A_398 : vector<16xf32> to vector<1x16xf32>
        tpu.vector_store %arg9[%swap3A_399, %swap3A_400], %swap3A_403 {add = true, strides = array<i32>} : memref<80x128xf32, #tpu.memory_space<vmem>>, vector<1x16xf32>,
        %get3A_404 = arith.index_cast %scan3A_360 : i32 to index
        %get3A_405 = arith.constant 80 : index
        %get3A_406 = tpu.vector_load %arg14[%get3A_404, %get3A_405] {strides = array<i32>} : memref<80x128xf32, #tpu.memory_space<vmem>>, vector<1x16xf32>,
        %get3A_407 = vector.shape_cast %get3A_406 : vector<1x16xf32> to vector<16xf32>
        %swap3A_408 = arith.index_cast %scan3A_360 : i32 to index
        %swap3A_409 = arith.constant 80 : index
        %swap3A_410 = tpu.vector_load %arg9[%swap3A_408, %swap3A_409] {strides = array<i32>} : memref<80x128xf32, #tpu.memory_space<vmem>>, vector<1x16xf32>,
        %swap3A_411 = vector.shape_cast %swap3A_410 : vector<1x16xf32> to vector<16xf32>
        %swap3A_412 = vector.shape_cast %get3A_407 : vector<16xf32> to vector<1x16xf32>
        tpu.vector_store %arg9[%swap3A_408, %swap3A_409], %swap3A_412 {add = true, strides = array<i32>} : memref<80x128xf32, #tpu.memory_space<vmem>>, vector<1x16xf32>,
        %get3A_413 = arith.index_cast %scan3A_360 : i32 to index
        %get3A_414 = arith.constant 96 : index
        %get3A_415 = tpu.vector_load %arg14[%get3A_413, %get3A_414] {strides = array<i32>} : memref<80x128xf32, #tpu.memory_space<vmem>>, vector<1x16xf32>,
        %get3A_416 = vector.shape_cast %get3A_415 : vector<1x16xf32> to vector<16xf32>
        %swap3A_417 = arith.index_cast %scan3A_360 : i32 to index
        %swap3A_418 = arith.constant 96 : index
        %swap3A_419 = tpu.vector_load %arg9[%swap3A_417, %swap3A_418] {strides = array<i32>} : memref<80x128xf32, #tpu.memory_space<vmem>>, vector<1x16xf32>,
        %swap3A_420 = vector.shape_cast %swap3A_419 : vector<1x16xf32> to vector<16xf32>
        %swap3A_421 = vector.shape_cast %get3A_416 : vector<16xf32> to vector<1x16xf32>
        tpu.vector_store %arg9[%swap3A_417, %swap3A_418], %swap3A_421 {add = true, strides = array<i32>} : memref<80x128xf32, #tpu.memory_space<vmem>>, vector<1x16xf32>,
        %get3A_422 = arith.index_cast %scan3A_360 : i32 to index
        %get3A_423 = arith.constant 112 : index
        %get3A_424 = tpu.vector_load %arg14[%get3A_422, %get3A_423] {strides = array<i32>} : memref<80x128xf32, #tpu.memory_space<vmem>>, vector<1x16xf32>,
        %get3A_425 = vector.shape_cast %get3A_424 : vector<1x16xf32> to vector<16xf32>
        %swap3A_426 = arith.index_cast %scan3A_360 : i32 to index
        %swap3A_427 = arith.constant 112 : index
        %swap3A_428 = tpu.vector_load %arg9[%swap3A_426, %swap3A_427] {strides = array<i32>} : memref<80x128xf32, #tpu.memory_space<vmem>>, vector<1x16xf32>,
        %swap3A_429 = vector.shape_cast %swap3A_428 : vector<1x16xf32> to vector<16xf32>
        %swap3A_430 = vector.shape_cast %get3A_425 : vector<16xf32> to vector<1x16xf32>
        tpu.vector_store %arg9[%swap3A_426, %swap3A_427], %swap3A_430 {add = true, strides = array<i32>} : memref<80x128xf32, #tpu.memory_space<vmem>>, vector<1x16xf32>,
      }
      %scan3A_204 = arith.constant 80 : i32
      %add3A_205 = arith.addi %mul3A_2, %add3A_186 : i32
      %mul3A_206 = arith.constant 80 : i32
      %mul3A_207 = arith.muli %add3A_205, %mul3A_206 : i32
      %dma_start3A_208 = arith.constant 0 : i32
      %dma_start3A_209 = tpu.memref_slice %arg6[%mul3A_207, %dma_start3A_208] : memref<819200x128xf32, #tpu.memory_space<hbm>> -> memref<80x128xf32, #tpu.memory_space<hbm>>
      %dma_start3A_210 = arith.constant 0 : i32
      %dma_start3A_211 = tpu.memref_slice %arg6[%mul3A_207, %dma_start3A_210] : memref<819200x128xf32, #tpu.memory_space<hbm>> -> memref<80x128xf32, #tpu.memory_space<hbm>>
      tpu.enqueue_dma source(%arg9 : memref<80x128xf32, #tpu.memory_space<vmem>>) target(%dma_start3A_211 : memref<80x128xf32, #tpu.memory_space<hbm>>) target_semaphore(%arg29 : memref<!tpu.dma_semaphore, #tpu.memory_space<semaphore_mem>>)
      %add3A_212 = arith.constant 3 : i32
      %add3A_213 = arith.addi %add3A_186, %add3A_212 : i32
      %lt3A = arith.constant 320 : i32
      %lt3A_214 = arith.cmpi slt, %add3A_213, %lt3A : i32
      %convert_element_type3A = arith.extui %lt3A_214 : i1 to i32
      %cond3A = arith.constant 0 : i32
      %cond3A_215 = arith.cmpi ne, %convert_element_type3A, %cond3A : i32
      scf.if %cond3A_215 {
        %ge3A = arith.constant 1 : i32
        %ge3A_360 = arith.cmpi sge, %scan3A_182, %ge3A : i32
        %convert_element_type3A_361 = arith.extui %ge3A_360 : i1 to i32
        %cond3A_362 = arith.constant 0 : i32
        %cond3A_363 = arith.cmpi ne, %convert_element_type3A_361, %cond3A_362 : i32
        scf.if %cond3A_363 {
          %dma_wait3A_388 = arith.constant 0 : i32
          %dma_wait3A_389 = arith.constant 0 : i32
          %dma_wait3A_390 = tpu.memref_slice %arg4[%dma_wait3A_388, %dma_wait3A_389] : memref<100000x128xf32, #tpu.memory_space<hbm>> -> memref<80x128xf32, #tpu.memory_space<hbm>>
          %dma_wait3A_391 = arith.constant 0 : i32
          %dma_wait3A_392 = arith.constant 0 : i32
          %dma_wait3A_393 = tpu.memref_slice %arg4[%dma_wait3A_391, %dma_wait3A_392] : memref<100000x128xf32, #tpu.memory_space<hbm>> -> memref<80x128xf32, #tpu.memory_space<hbm>>
          tpu.wait_dma2 semaphore(%arg32 : memref<!tpu.dma_semaphore, #tpu.memory_space<semaphore_mem>>) src(%dma_wait3A_393 : memref<80x128xf32, #tpu.memory_space<hbm>>) dst(%arg12 : memref<80x128xf32, #tpu.memory_space<vmem>>)
        } else {
        }
        %rem3A_364 = arith.constant 32 : i32
        %rem3A_365 = arith.remsi %add3A_213, %rem3A_364 : i32
        %eq3A = arith.constant 0 : i32
        %eq3A_366 = arith.cmpi eq, %rem3A_365, %eq3A : i32
        %convert_element_type3A_367 = arith.extui %eq3A_366 : i1 to i32
        %cond3A_368 = arith.constant 0 : i32
        %cond3A_369 = arith.cmpi ne, %convert_element_type3A_367, %cond3A_368 : i32
        scf.if %cond3A_369 {
          %dma_wait3A_388 = arith.constant 0 : i32
          %dma_wait3A_389 = arith.constant 0 : i32
          %dma_wait3A_390 = arith.constant 0 : i32
          %dma_wait3A_391 = tpu.memref_slice %arg7[%dma_wait3A_388, %dma_wait3A_389, %dma_wait3A_390] : memref<3x32x80xi32, #tpu.memory_space<vmem>> -> memref<1x32x80xi32, #tpu.memory_space<vmem>>
          %dma_wait3A_392 = tpu.memref_squeeze %dma_wait3A_391 : memref<1x32x80xi32, #tpu.memory_space<vmem>> -> memref<32x80xi32, #tpu.memory_space<vmem>>
          %dma_wait3A_393 = arith.constant 0 : i32
          %dma_wait3A_394 = arith.constant 0 : i32
          %dma_wait3A_395 = tpu.memref_slice %arg2[%dma_wait3A_393, %dma_wait3A_394] : memref<10240x80xi32, #tpu.memory_space<hbm>> -> memref<32x80xi32, #tpu.memory_space<hbm>>
          %dma_wait3A_396 = arith.constant 0 : i32
          %dma_wait3A_397 = arith.constant 0 : i32
          %dma_wait3A_398 = tpu.memref_slice %arg7[%dma_wait3A_388, %dma_wait3A_396, %dma_wait3A_397] : memref<3x32x80xi32, #tpu.memory_space<vmem>> -> memref<1x32x80xi32, #tpu.memory_space<vmem>>
          %dma_wait3A_399 = tpu.memref_squeeze %dma_wait3A_398 : memref<1x32x80xi32, #tpu.memory_space<vmem>> -> memref<32x80xi32, #tpu.memory_space<vmem>>
          %dma_wait3A_400 = arith.constant 0 : i32
          %dma_wait3A_401 = arith.constant 0 : i32
          %dma_wait3A_402 = tpu.memref_slice %arg2[%dma_wait3A_400, %dma_wait3A_401] : memref<10240x80xi32, #tpu.memory_space<hbm>> -> memref<32x80xi32, #tpu.memory_space<hbm>>
          tpu.wait_dma2 semaphore(%arg34 : memref<!tpu.dma_semaphore, #tpu.memory_space<semaphore_mem>>) src(%dma_wait3A_402 : memref<32x80xi32, #tpu.memory_space<hbm>>) dst(%dma_wait3A_399 : memref<32x80xi32, #tpu.memory_space<vmem>>)
          %dma_wait3A_403 = arith.constant 0 : i32
          %dma_wait3A_404 = arith.constant 0 : i32
          %dma_wait3A_405 = arith.constant 0 : i32
          %dma_wait3A_406 = tpu.memref_slice %arg8[%dma_wait3A_403, %dma_wait3A_404, %dma_wait3A_405] : memref<3x32x80xi32, #tpu.memory_space<vmem>> -> memref<1x32x80xi32, #tpu.memory_space<vmem>>
          %dma_wait3A_407 = tpu.memref_squeeze %dma_wait3A_406 : memref<1x32x80xi32, #tpu.memory_space<vmem>> -> memref<32x80xi32, #tpu.memory_space<vmem>>
          %dma_wait3A_408 = arith.constant 0 : i32
          %dma_wait3A_409 = arith.constant 0 : i32
          %dma_wait3A_410 = tpu.memref_slice %arg3[%dma_wait3A_408, %dma_wait3A_409] : memref<10240x80xi32, #tpu.memory_space<hbm>> -> memref<32x80xi32, #tpu.memory_space<hbm>>
          %dma_wait3A_411 = arith.constant 0 : i32
          %dma_wait3A_412 = arith.constant 0 : i32
          %dma_wait3A_413 = tpu.memref_slice %arg8[%dma_wait3A_403, %dma_wait3A_411, %dma_wait3A_412] : memref<3x32x80xi32, #tpu.memory_space<vmem>> -> memref<1x32x80xi32, #tpu.memory_space<vmem>>
          %dma_wait3A_414 = tpu.memref_squeeze %dma_wait3A_413 : memref<1x32x80xi32, #tpu.memory_space<vmem>> -> memref<32x80xi32, #tpu.memory_space<vmem>>
          %dma_wait3A_415 = arith.constant 0 : i32
          %dma_wait3A_416 = arith.constant 0 : i32
          %dma_wait3A_417 = tpu.memref_slice %arg3[%dma_wait3A_415, %dma_wait3A_416] : memref<10240x80xi32, #tpu.memory_space<hbm>> -> memref<32x80xi32, #tpu.memory_space<hbm>>
          tpu.wait_dma2 semaphore(%arg35 : memref<!tpu.dma_semaphore, #tpu.memory_space<semaphore_mem>>) src(%dma_wait3A_417 : memref<32x80xi32, #tpu.memory_space<hbm>>) dst(%dma_wait3A_414 : memref<32x80xi32, #tpu.memory_space<vmem>>)
          %div3A_418 = arith.constant 32 : i32
          %div3A_419 = arith.divsi %add3A_213, %div3A_418 : i32
          %add3A_420 = arith.constant 1 : i32
          %add3A_421 = arith.addi %div3A_419, %add3A_420 : i32
          %lt3A_422 = arith.constant 10 : i32
          %lt3A_423 = arith.cmpi slt, %add3A_421, %lt3A_422 : i32
          %convert_element_type3A_424 = arith.extui %lt3A_423 : i1 to i32
          %cond3A_425 = arith.constant 0 : i32
          %cond3A_426 = arith.cmpi ne, %convert_element_type3A_424, %cond3A_425 : i32
          scf.if %cond3A_426 {
            %div3A_427 = arith.constant 32 : i32
            %div3A_428 = arith.divsi %add3A_213, %div3A_427 : i32
            %add3A_429 = arith.constant 1 : i32
            %add3A_430 = arith.addi %div3A_428, %add3A_429 : i32
            %rem3A_431 = arith.constant 3 : i32
            %rem3A_432 = arith.remsi %add3A_430, %rem3A_431 : i32
            %mul3A_433 = arith.constant 32 : i32
            %mul3A_434 = arith.muli %add3A_430, %mul3A_433 : i32
            %add3A_435 = arith.addi %mul3A_2, %mul3A_434 : i32
            %dma_start3A_436 = arith.constant 0 : i32
            %dma_start3A_437 = arith.constant 0 : i32
            %dma_start3A_438 = tpu.memref_slice %arg7[%rem3A_432, %dma_start3A_436, %dma_start3A_437] : memref<3x32x80xi32, #tpu.memory_space<vmem>> -> memref<1x32x80xi32, #tpu.memory_space<vmem>>
            %dma_start3A_439 = tpu.memref_squeeze %dma_start3A_438 : memref<1x32x80xi32, #tpu.memory_space<vmem>> -> memref<32x80xi32, #tpu.memory_space<vmem>>
            %dma_start3A_440 = arith.constant 0 : i32
            %dma_start3A_441 = tpu.memref_slice %arg2[%add3A_435, %dma_start3A_440] : memref<10240x80xi32, #tpu.memory_space<hbm>> -> memref<32x80xi32, #tpu.memory_space<hbm>>
            %dma_start3A_442 = arith.constant 0 : i32
            %dma_start3A_443 = arith.constant 0 : i32
            %dma_start3A_444 = tpu.memref_slice %arg7[%rem3A_432, %dma_start3A_442, %dma_start3A_443] : memref<3x32x80xi32, #tpu.memory_space<vmem>> -> memref<1x32x80xi32, #tpu.memory_space<vmem>>
            %dma_start3A_445 = tpu.memref_squeeze %dma_start3A_444 : memref<1x32x80xi32, #tpu.memory_space<vmem>> -> memref<32x80xi32, #tpu.memory_space<vmem>>
            %dma_start3A_446 = arith.constant 0 : i32
            %dma_start3A_447 = tpu.memref_slice %arg2[%add3A_435, %dma_start3A_446] : memref<10240x80xi32, #tpu.memory_space<hbm>> -> memref<32x80xi32, #tpu.memory_space<hbm>>
            tpu.enqueue_dma source(%dma_start3A_447 : memref<32x80xi32, #tpu.memory_space<hbm>>) target(%dma_start3A_445 : memref<32x80xi32, #tpu.memory_space<vmem>>) target_semaphore(%arg34 : memref<!tpu.dma_semaphore, #tpu.memory_space<semaphore_mem>>)
            %dma_start3A_448 = arith.constant 0 : i32
            %dma_start3A_449 = arith.constant 0 : i32
            %dma_start3A_450 = tpu.memref_slice %arg8[%rem3A_432, %dma_start3A_448, %dma_start3A_449] : memref<3x32x80xi32, #tpu.memory_space<vmem>> -> memref<1x32x80xi32, #tpu.memory_space<vmem>>
            %dma_start3A_451 = tpu.memref_squeeze %dma_start3A_450 : memref<1x32x80xi32, #tpu.memory_space<vmem>> -> memref<32x80xi32, #tpu.memory_space<vmem>>
            %dma_start3A_452 = arith.constant 0 : i32
            %dma_start3A_453 = tpu.memref_slice %arg3[%add3A_435, %dma_start3A_452] : memref<10240x80xi32, #tpu.memory_space<hbm>> -> memref<32x80xi32, #tpu.memory_space<hbm>>
            %dma_start3A_454 = arith.constant 0 : i32
            %dma_start3A_455 = arith.constant 0 : i32
            %dma_start3A_456 = tpu.memref_slice %arg8[%rem3A_432, %dma_start3A_454, %dma_start3A_455] : memref<3x32x80xi32, #tpu.memory_space<vmem>> -> memref<1x32x80xi32, #tpu.memory_space<vmem>>
            %dma_start3A_457 = tpu.memref_squeeze %dma_start3A_456 : memref<1x32x80xi32, #tpu.memory_space<vmem>> -> memref<32x80xi32, #tpu.memory_space<vmem>>
            %dma_start3A_458 = arith.constant 0 : i32
            %dma_start3A_459 = tpu.memref_slice %arg3[%add3A_435, %dma_start3A_458] : memref<10240x80xi32, #tpu.memory_space<hbm>> -> memref<32x80xi32, #tpu.memory_space<hbm>>
            tpu.enqueue_dma source(%dma_start3A_459 : memref<32x80xi32, #tpu.memory_space<hbm>>) target(%dma_start3A_457 : memref<32x80xi32, #tpu.memory_space<vmem>>) target_semaphore(%arg35 : memref<!tpu.dma_semaphore, #tpu.memory_space<semaphore_mem>>)
          } else {
          }
        } else {
        }
        %div3A_370 = arith.constant 32 : i32
        %div3A_371 = arith.divsi %add3A_213, %div3A_370 : i32
        %rem3A_372 = arith.constant 3 : i32
        %rem3A_373 = arith.remsi %div3A_371, %rem3A_372 : i32
        %rem3A_374 = arith.constant 32 : i32
        %rem3A_375 = arith.remsi %add3A_213, %rem3A_374 : i32
        %dma_start3A_376 = arith.constant 0 : i32
        %dma_start3A_377 = tpu.memref_slice %arg7[%rem3A_373, %rem3A_375, %dma_start3A_376] : memref<3x32x80xi32, #tpu.memory_space<vmem>> -> memref<1x1x80xi32, #tpu.memory_space<vmem>>
        %dma_start3A_378 = tpu.memref_squeeze %dma_start3A_377 : memref<1x1x80xi32, #tpu.memory_space<vmem>> -> memref<80xi32, #tpu.memory_space<vmem>>
        %dma_start3A_379 = arith.constant 0 : i32
        %dma_start3A_380 = arith.constant 0 : i32
        %dma_start3A_381 = tpu.memref_slice %arg4[%dma_start3A_379, %dma_start3A_380] : memref<100000x128xf32, #tpu.memory_space<hbm>> -> memref<100000x128xf32, #tpu.memory_space<hbm>>
        tpu.enqueue_indirect_dma source(%dma_start3A_381 : memref<100000x128xf32, #tpu.memory_space<hbm>>) target(%arg12 : memref<80x128xf32, #tpu.memory_space<vmem>>) offsets(%dma_start3A_378 : memref<80xi32, #tpu.memory_space<vmem>>) semaphore(%arg22 : memref<!tpu.dma_semaphore, #tpu.memory_space<semaphore_mem>>)
        %dma_start3A_382 = arith.constant 0 : i32
        %dma_start3A_383 = tpu.memref_slice %arg8[%rem3A_373, %rem3A_375, %dma_start3A_382] : memref<3x32x80xi32, #tpu.memory_space<vmem>> -> memref<1x1x80xi32, #tpu.memory_space<vmem>>
        %dma_start3A_384 = tpu.memref_squeeze %dma_start3A_383 : memref<1x1x80xi32, #tpu.memory_space<vmem>> -> memref<80xi32, #tpu.memory_space<vmem>>
        %dma_start3A_385 = arith.constant 0 : i32
        %dma_start3A_386 = arith.constant 0 : i32
        %dma_start3A_387 = tpu.memref_slice %arg5[%dma_start3A_385, %dma_start3A_386] : memref<100000x128xf32, #tpu.memory_space<hbm>> -> memref<100000x128xf32, #tpu.memory_space<hbm>>
        tpu.enqueue_indirect_dma source(%dma_start3A_387 : memref<100000x128xf32, #tpu.memory_space<hbm>>) target(%arg17 : memref<80x128xf32, #tpu.memory_space<vmem>>) offsets(%dma_start3A_384 : memref<80xi32, #tpu.memory_space<vmem>>) semaphore(%arg27 : memref<!tpu.dma_semaphore, #tpu.memory_space<semaphore_mem>>)
      } else {
      }
      %mul3A_216 = arith.constant 5 : i32
      %mul3A_217 = arith.muli %mul3A_216, %scan3A_182 : i32
      %add3A_218 = arith.constant 1 : i32
      %add3A_219 = arith.addi %mul3A_217, %add3A_218 : i32
      %dma_wait3A_220 = arith.constant 0 : i32
      %dma_wait3A_221 = arith.constant 0 : i32
      %dma_wait3A_222 = tpu.memref_slice %arg4[%dma_wait3A_220, %dma_wait3A_221] : memref<100000x128xf32, #tpu.memory_space<hbm>> -> memref<80x128xf32, #tpu.memory_space<hbm>>
      %dma_wait3A_223 = arith.constant 0 : i32
      %dma_wait3A_224 = arith.constant 0 : i32
      %dma_wait3A_225 = tpu.memref_slice %arg4[%dma_wait3A_223, %dma_wait3A_224] : memref<100000x128xf32, #tpu.memory_space<hbm>> -> memref<80x128xf32, #tpu.memory_space<hbm>>
      tpu.wait_dma2 semaphore(%arg20 : memref<!tpu.dma_semaphore, #tpu.memory_space<semaphore_mem>>) src(%dma_wait3A_225 : memref<80x128xf32, #tpu.memory_space<hbm>>) dst(%arg10 : memref<80x128xf32, #tpu.memory_space<vmem>>)
      %dma_wait3A_226 = arith.constant 0 : i32
      %dma_wait3A_227 = arith.constant 0 : i32
      %dma_wait3A_228 = tpu.memref_slice %arg4[%dma_wait3A_226, %dma_wait3A_227] : memref<100000x128xf32, #tpu.memory_space<hbm>> -> memref<80x128xf32, #tpu.memory_space<hbm>>
      %dma_wait3A_229 = arith.constant 0 : i32
      %dma_wait3A_230 = arith.constant 0 : i32
      %dma_wait3A_231 = tpu.memref_slice %arg4[%dma_wait3A_229, %dma_wait3A_230] : memref<100000x128xf32, #tpu.memory_space<hbm>> -> memref<80x128xf32, #tpu.memory_space<hbm>>
      tpu.wait_dma2 semaphore(%arg25 : memref<!tpu.dma_semaphore, #tpu.memory_space<semaphore_mem>>) src(%dma_wait3A_231 : memref<80x128xf32, #tpu.memory_space<hbm>>) dst(%arg15 : memref<80x128xf32, #tpu.memory_space<vmem>>)
      %scan3A_232 = arith.constant 0 : i32
      %scan3A_233 = arith.constant 0 : i32
      %scan3A_234 = arith.constant 80 : i32
      %scan3A_235 = arith.addi %scan3A_233, %scan3A_234 : i32
      %scan3A_236 = arith.constant 1 : i32
      scf.for %scan3A_360 = %scan3A_233 to %scan3A_235 step %scan3A_236  : i32 {
        %get3A = arith.index_cast %scan3A_360 : i32 to index
        %get3A_361 = arith.constant 0 : index
        %get3A_362 = tpu.vector_load %arg15[%get3A, %get3A_361] {strides = array<i32>} : memref<80x128xf32, #tpu.memory_space<vmem>>, vector<1x16xf32>,
        %get3A_363 = vector.shape_cast %get3A_362 : vector<1x16xf32> to vector<16xf32>
        %swap3A = arith.index_cast %scan3A_360 : i32 to index
        %swap3A_364 = arith.constant 0 : index
        %swap3A_365 = tpu.vector_load %arg10[%swap3A, %swap3A_364] {strides = array<i32>} : memref<80x128xf32, #tpu.memory_space<vmem>>, vector<1x16xf32>,
        %swap3A_366 = vector.shape_cast %swap3A_365 : vector<1x16xf32> to vector<16xf32>
        %swap3A_367 = vector.shape_cast %get3A_363 : vector<16xf32> to vector<1x16xf32>
        tpu.vector_store %arg10[%swap3A, %swap3A_364], %swap3A_367 {add = true, strides = array<i32>} : memref<80x128xf32, #tpu.memory_space<vmem>>, vector<1x16xf32>,
        %get3A_368 = arith.index_cast %scan3A_360 : i32 to index
        %get3A_369 = arith.constant 16 : index
        %get3A_370 = tpu.vector_load %arg15[%get3A_368, %get3A_369] {strides = array<i32>} : memref<80x128xf32, #tpu.memory_space<vmem>>, vector<1x16xf32>,
        %get3A_371 = vector.shape_cast %get3A_370 : vector<1x16xf32> to vector<16xf32>
        %swap3A_372 = arith.index_cast %scan3A_360 : i32 to index
        %swap3A_373 = arith.constant 16 : index
        %swap3A_374 = tpu.vector_load %arg10[%swap3A_372, %swap3A_373] {strides = array<i32>} : memref<80x128xf32, #tpu.memory_space<vmem>>, vector<1x16xf32>,
        %swap3A_375 = vector.shape_cast %swap3A_374 : vector<1x16xf32> to vector<16xf32>
        %swap3A_376 = vector.shape_cast %get3A_371 : vector<16xf32> to vector<1x16xf32>
        tpu.vector_store %arg10[%swap3A_372, %swap3A_373], %swap3A_376 {add = true, strides = array<i32>} : memref<80x128xf32, #tpu.memory_space<vmem>>, vector<1x16xf32>,
        %get3A_377 = arith.index_cast %scan3A_360 : i32 to index
        %get3A_378 = arith.constant 32 : index
        %get3A_379 = tpu.vector_load %arg15[%get3A_377, %get3A_378] {strides = array<i32>} : memref<80x128xf32, #tpu.memory_space<vmem>>, vector<1x16xf32>,
        %get3A_380 = vector.shape_cast %get3A_379 : vector<1x16xf32> to vector<16xf32>
        %swap3A_381 = arith.index_cast %scan3A_360 : i32 to index
        %swap3A_382 = arith.constant 32 : index
        %swap3A_383 = tpu.vector_load %arg10[%swap3A_381, %swap3A_382] {strides = array<i32>} : memref<80x128xf32, #tpu.memory_space<vmem>>, vector<1x16xf32>,
        %swap3A_384 = vector.shape_cast %swap3A_383 : vector<1x16xf32> to vector<16xf32>
        %swap3A_385 = vector.shape_cast %get3A_380 : vector<16xf32> to vector<1x16xf32>
        tpu.vector_store %arg10[%swap3A_381, %swap3A_382], %swap3A_385 {add = true, strides = array<i32>} : memref<80x128xf32, #tpu.memory_space<vmem>>, vector<1x16xf32>,
        %get3A_386 = arith.index_cast %scan3A_360 : i32 to index
        %get3A_387 = arith.constant 48 : index
        %get3A_388 = tpu.vector_load %arg15[%get3A_386, %get3A_387] {strides = array<i32>} : memref<80x128xf32, #tpu.memory_space<vmem>>, vector<1x16xf32>,
        %get3A_389 = vector.shape_cast %get3A_388 : vector<1x16xf32> to vector<16xf32>
        %swap3A_390 = arith.index_cast %scan3A_360 : i32 to index
        %swap3A_391 = arith.constant 48 : index
        %swap3A_392 = tpu.vector_load %arg10[%swap3A_390, %swap3A_391] {strides = array<i32>} : memref<80x128xf32, #tpu.memory_space<vmem>>, vector<1x16xf32>,
        %swap3A_393 = vector.shape_cast %swap3A_392 : vector<1x16xf32> to vector<16xf32>
        %swap3A_394 = vector.shape_cast %get3A_389 : vector<16xf32> to vector<1x16xf32>
        tpu.vector_store %arg10[%swap3A_390, %swap3A_391], %swap3A_394 {add = true, strides = array<i32>} : memref<80x128xf32, #tpu.memory_space<vmem>>, vector<1x16xf32>,
        %get3A_395 = arith.index_cast %scan3A_360 : i32 to index
        %get3A_396 = arith.constant 64 : index
        %get3A_397 = tpu.vector_load %arg15[%get3A_395, %get3A_396] {strides = array<i32>} : memref<80x128xf32, #tpu.memory_space<vmem>>, vector<1x16xf32>,
        %get3A_398 = vector.shape_cast %get3A_397 : vector<1x16xf32> to vector<16xf32>
        %swap3A_399 = arith.index_cast %scan3A_360 : i32 to index
        %swap3A_400 = arith.constant 64 : index
        %swap3A_401 = tpu.vector_load %arg10[%swap3A_399, %swap3A_400] {strides = array<i32>} : memref<80x128xf32, #tpu.memory_space<vmem>>, vector<1x16xf32>,
        %swap3A_402 = vector.shape_cast %swap3A_401 : vector<1x16xf32> to vector<16xf32>
        %swap3A_403 = vector.shape_cast %get3A_398 : vector<16xf32> to vector<1x16xf32>
        tpu.vector_store %arg10[%swap3A_399, %swap3A_400], %swap3A_403 {add = true, strides = array<i32>} : memref<80x128xf32, #tpu.memory_space<vmem>>, vector<1x16xf32>,
        %get3A_404 = arith.index_cast %scan3A_360 : i32 to index
        %get3A_405 = arith.constant 80 : index
        %get3A_406 = tpu.vector_load %arg15[%get3A_404, %get3A_405] {strides = array<i32>} : memref<80x128xf32, #tpu.memory_space<vmem>>, vector<1x16xf32>,
        %get3A_407 = vector.shape_cast %get3A_406 : vector<1x16xf32> to vector<16xf32>
        %swap3A_408 = arith.index_cast %scan3A_360 : i32 to index
        %swap3A_409 = arith.constant 80 : index
        %swap3A_410 = tpu.vector_load %arg10[%swap3A_408, %swap3A_409] {strides = array<i32>} : memref<80x128xf32, #tpu.memory_space<vmem>>, vector<1x16xf32>,
        %swap3A_411 = vector.shape_cast %swap3A_410 : vector<1x16xf32> to vector<16xf32>
        %swap3A_412 = vector.shape_cast %get3A_407 : vector<16xf32> to vector<1x16xf32>
        tpu.vector_store %arg10[%swap3A_408, %swap3A_409], %swap3A_412 {add = true, strides = array<i32>} : memref<80x128xf32, #tpu.memory_space<vmem>>, vector<1x16xf32>,
        %get3A_413 = arith.index_cast %scan3A_360 : i32 to index
        %get3A_414 = arith.constant 96 : index
        %get3A_415 = tpu.vector_load %arg15[%get3A_413, %get3A_414] {strides = array<i32>} : memref<80x128xf32, #tpu.memory_space<vmem>>, vector<1x16xf32>,
        %get3A_416 = vector.shape_cast %get3A_415 : vector<1x16xf32> to vector<16xf32>
        %swap3A_417 = arith.index_cast %scan3A_360 : i32 to index
        %swap3A_418 = arith.constant 96 : index
        %swap3A_419 = tpu.vector_load %arg10[%swap3A_417, %swap3A_418] {strides = array<i32>} : memref<80x128xf32, #tpu.memory_space<vmem>>, vector<1x16xf32>,
        %swap3A_420 = vector.shape_cast %swap3A_419 : vector<1x16xf32> to vector<16xf32>
        %swap3A_421 = vector.shape_cast %get3A_416 : vector<16xf32> to vector<1x16xf32>
        tpu.vector_store %arg10[%swap3A_417, %swap3A_418], %swap3A_421 {add = true, strides = array<i32>} : memref<80x128xf32, #tpu.memory_space<vmem>>, vector<1x16xf32>,
        %get3A_422 = arith.index_cast %scan3A_360 : i32 to index
        %get3A_423 = arith.constant 112 : index
        %get3A_424 = tpu.vector_load %arg15[%get3A_422, %get3A_423] {strides = array<i32>} : memref<80x128xf32, #tpu.memory_space<vmem>>, vector<1x16xf32>,
        %get3A_425 = vector.shape_cast %get3A_424 : vector<1x16xf32> to vector<16xf32>
        %swap3A_426 = arith.index_cast %scan3A_360 : i32 to index
        %swap3A_427 = arith.constant 112 : index
        %swap3A_428 = tpu.vector_load %arg10[%swap3A_426, %swap3A_427] {strides = array<i32>} : memref<80x128xf32, #tpu.memory_space<vmem>>, vector<1x16xf32>,
        %swap3A_429 = vector.shape_cast %swap3A_428 : vector<1x16xf32> to vector<16xf32>
        %swap3A_430 = vector.shape_cast %get3A_425 : vector<16xf32> to vector<1x16xf32>
        tpu.vector_store %arg10[%swap3A_426, %swap3A_427], %swap3A_430 {add = true, strides = array<i32>} : memref<80x128xf32, #tpu.memory_space<vmem>>, vector<1x16xf32>,
      }
      %scan3A_237 = arith.constant 80 : i32
      %add3A_238 = arith.addi %mul3A_2, %add3A_219 : i32
      %mul3A_239 = arith.constant 80 : i32
      %mul3A_240 = arith.muli %add3A_238, %mul3A_239 : i32
      %dma_start3A_241 = arith.constant 0 : i32
      %dma_start3A_242 = tpu.memref_slice %arg6[%mul3A_240, %dma_start3A_241] : memref<819200x128xf32, #tpu.memory_space<hbm>> -> memref<80x128xf32, #tpu.memory_space<hbm>>
      %dma_start3A_243 = arith.constant 0 : i32
      %dma_start3A_244 = tpu.memref_slice %arg6[%mul3A_240, %dma_start3A_243] : memref<819200x128xf32, #tpu.memory_space<hbm>> -> memref<80x128xf32, #tpu.memory_space<hbm>>
      tpu.enqueue_dma source(%arg10 : memref<80x128xf32, #tpu.memory_space<vmem>>) target(%dma_start3A_244 : memref<80x128xf32, #tpu.memory_space<hbm>>) target_semaphore(%arg30 : memref<!tpu.dma_semaphore, #tpu.memory_space<semaphore_mem>>)
      %add3A_245 = arith.constant 3 : i32
      %add3A_246 = arith.addi %add3A_219, %add3A_245 : i32
      %lt3A_247 = arith.constant 320 : i32
      %lt3A_248 = arith.cmpi slt, %add3A_246, %lt3A_247 : i32
      %convert_element_type3A_249 = arith.extui %lt3A_248 : i1 to i32
      %cond3A_250 = arith.constant 0 : i32
      %cond3A_251 = arith.cmpi ne, %convert_element_type3A_249, %cond3A_250 : i32
      scf.if %cond3A_251 {
        %ge3A = arith.constant 1 : i32
        %ge3A_360 = arith.cmpi sge, %scan3A_182, %ge3A : i32
        %convert_element_type3A_361 = arith.extui %ge3A_360 : i1 to i32
        %cond3A_362 = arith.constant 0 : i32
        %cond3A_363 = arith.cmpi ne, %convert_element_type3A_361, %cond3A_362 : i32
        scf.if %cond3A_363 {
          %dma_wait3A_388 = arith.constant 0 : i32
          %dma_wait3A_389 = arith.constant 0 : i32
          %dma_wait3A_390 = tpu.memref_slice %arg4[%dma_wait3A_388, %dma_wait3A_389] : memref<100000x128xf32, #tpu.memory_space<hbm>> -> memref<80x128xf32, #tpu.memory_space<hbm>>
          %dma_wait3A_391 = arith.constant 0 : i32
          %dma_wait3A_392 = arith.constant 0 : i32
          %dma_wait3A_393 = tpu.memref_slice %arg4[%dma_wait3A_391, %dma_wait3A_392] : memref<100000x128xf32, #tpu.memory_space<hbm>> -> memref<80x128xf32, #tpu.memory_space<hbm>>
          tpu.wait_dma2 semaphore(%arg33 : memref<!tpu.dma_semaphore, #tpu.memory_space<semaphore_mem>>) src(%dma_wait3A_393 : memref<80x128xf32, #tpu.memory_space<hbm>>) dst(%arg13 : memref<80x128xf32, #tpu.memory_space<vmem>>)
        } else {
        }
        %rem3A_364 = arith.constant 32 : i32
        %rem3A_365 = arith.remsi %add3A_246, %rem3A_364 : i32
        %eq3A = arith.constant 0 : i32
        %eq3A_366 = arith.cmpi eq, %rem3A_365, %eq3A : i32
        %convert_element_type3A_367 = arith.extui %eq3A_366 : i1 to i32
        %cond3A_368 = arith.constant 0 : i32
        %cond3A_369 = arith.cmpi ne, %convert_element_type3A_367, %cond3A_368 : i32
        scf.if %cond3A_369 {
          %dma_wait3A_388 = arith.constant 0 : i32
          %dma_wait3A_389 = arith.constant 0 : i32
          %dma_wait3A_390 = arith.constant 0 : i32
          %dma_wait3A_391 = tpu.memref_slice %arg7[%dma_wait3A_388, %dma_wait3A_389, %dma_wait3A_390] : memref<3x32x80xi32, #tpu.memory_space<vmem>> -> memref<1x32x80xi32, #tpu.memory_space<vmem>>
          %dma_wait3A_392 = tpu.memref_squeeze %dma_wait3A_391 : memref<1x32x80xi32, #tpu.memory_space<vmem>> -> memref<32x80xi32, #tpu.memory_space<vmem>>
          %dma_wait3A_393 = arith.constant 0 : i32
          %dma_wait3A_394 = arith.constant 0 : i32
          %dma_wait3A_395 = tpu.memref_slice %arg2[%dma_wait3A_393, %dma_wait3A_394] : memref<10240x80xi32, #tpu.memory_space<hbm>> -> memref<32x80xi32, #tpu.memory_space<hbm>>
          %dma_wait3A_396 = arith.constant 0 : i32
          %dma_wait3A_397 = arith.constant 0 : i32
          %dma_wait3A_398 = tpu.memref_slice %arg7[%dma_wait3A_388, %dma_wait3A_396, %dma_wait3A_397] : memref<3x32x80xi32, #tpu.memory_space<vmem>> -> memref<1x32x80xi32, #tpu.memory_space<vmem>>
          %dma_wait3A_399 = tpu.memref_squeeze %dma_wait3A_398 : memref<1x32x80xi32, #tpu.memory_space<vmem>> -> memref<32x80xi32, #tpu.memory_space<vmem>>
          %dma_wait3A_400 = arith.constant 0 : i32
          %dma_wait3A_401 = arith.constant 0 : i32
          %dma_wait3A_402 = tpu.memref_slice %arg2[%dma_wait3A_400, %dma_wait3A_401] : memref<10240x80xi32, #tpu.memory_space<hbm>> -> memref<32x80xi32, #tpu.memory_space<hbm>>
          tpu.wait_dma2 semaphore(%arg34 : memref<!tpu.dma_semaphore, #tpu.memory_space<semaphore_mem>>) src(%dma_wait3A_402 : memref<32x80xi32, #tpu.memory_space<hbm>>) dst(%dma_wait3A_399 : memref<32x80xi32, #tpu.memory_space<vmem>>)
          %dma_wait3A_403 = arith.constant 0 : i32
          %dma_wait3A_404 = arith.constant 0 : i32
          %dma_wait3A_405 = arith.constant 0 : i32
          %dma_wait3A_406 = tpu.memref_slice %arg8[%dma_wait3A_403, %dma_wait3A_404, %dma_wait3A_405] : memref<3x32x80xi32, #tpu.memory_space<vmem>> -> memref<1x32x80xi32, #tpu.memory_space<vmem>>
          %dma_wait3A_407 = tpu.memref_squeeze %dma_wait3A_406 : memref<1x32x80xi32, #tpu.memory_space<vmem>> -> memref<32x80xi32, #tpu.memory_space<vmem>>
          %dma_wait3A_408 = arith.constant 0 : i32
          %dma_wait3A_409 = arith.constant 0 : i32
          %dma_wait3A_410 = tpu.memref_slice %arg3[%dma_wait3A_408, %dma_wait3A_409] : memref<10240x80xi32, #tpu.memory_space<hbm>> -> memref<32x80xi32, #tpu.memory_space<hbm>>
          %dma_wait3A_411 = arith.constant 0 : i32
          %dma_wait3A_412 = arith.constant 0 : i32
          %dma_wait3A_413 = tpu.memref_slice %arg8[%dma_wait3A_403, %dma_wait3A_411, %dma_wait3A_412] : memref<3x32x80xi32, #tpu.memory_space<vmem>> -> memref<1x32x80xi32, #tpu.memory_space<vmem>>
          %dma_wait3A_414 = tpu.memref_squeeze %dma_wait3A_413 : memref<1x32x80xi32, #tpu.memory_space<vmem>> -> memref<32x80xi32, #tpu.memory_space<vmem>>
          %dma_wait3A_415 = arith.constant 0 : i32
          %dma_wait3A_416 = arith.constant 0 : i32
          %dma_wait3A_417 = tpu.memref_slice %arg3[%dma_wait3A_415, %dma_wait3A_416] : memref<10240x80xi32, #tpu.memory_space<hbm>> -> memref<32x80xi32, #tpu.memory_space<hbm>>
          tpu.wait_dma2 semaphore(%arg35 : memref<!tpu.dma_semaphore, #tpu.memory_space<semaphore_mem>>) src(%dma_wait3A_417 : memref<32x80xi32, #tpu.memory_space<hbm>>) dst(%dma_wait3A_414 : memref<32x80xi32, #tpu.memory_space<vmem>>)
          %div3A_418 = arith.constant 32 : i32
          %div3A_419 = arith.divsi %add3A_246, %div3A_418 : i32
          %add3A_420 = arith.constant 1 : i32
          %add3A_421 = arith.addi %div3A_419, %add3A_420 : i32
          %lt3A_422 = arith.constant 10 : i32
          %lt3A_423 = arith.cmpi slt, %add3A_421, %lt3A_422 : i32
          %convert_element_type3A_424 = arith.extui %lt3A_423 : i1 to i32
          %cond3A_425 = arith.constant 0 : i32
          %cond3A_426 = arith.cmpi ne, %convert_element_type3A_424, %cond3A_425 : i32
          scf.if %cond3A_426 {
            %div3A_427 = arith.constant 32 : i32
            %div3A_428 = arith.divsi %add3A_246, %div3A_427 : i32
            %add3A_429 = arith.constant 1 : i32
            %add3A_430 = arith.addi %div3A_428, %add3A_429 : i32
            %rem3A_431 = arith.constant 3 : i32
            %rem3A_432 = arith.remsi %add3A_430, %rem3A_431 : i32
            %mul3A_433 = arith.constant 32 : i32
            %mul3A_434 = arith.muli %add3A_430, %mul3A_433 : i32
            %add3A_435 = arith.addi %mul3A_2, %mul3A_434 : i32
            %dma_start3A_436 = arith.constant 0 : i32
            %dma_start3A_437 = arith.constant 0 : i32
            %dma_start3A_438 = tpu.memref_slice %arg7[%rem3A_432, %dma_start3A_436, %dma_start3A_437] : memref<3x32x80xi32, #tpu.memory_space<vmem>> -> memref<1x32x80xi32, #tpu.memory_space<vmem>>
            %dma_start3A_439 = tpu.memref_squeeze %dma_start3A_438 : memref<1x32x80xi32, #tpu.memory_space<vmem>> -> memref<32x80xi32, #tpu.memory_space<vmem>>
            %dma_start3A_440 = arith.constant 0 : i32
            %dma_start3A_441 = tpu.memref_slice %arg2[%add3A_435, %dma_start3A_440] : memref<10240x80xi32, #tpu.memory_space<hbm>> -> memref<32x80xi32, #tpu.memory_space<hbm>>
            %dma_start3A_442 = arith.constant 0 : i32
            %dma_start3A_443 = arith.constant 0 : i32
            %dma_start3A_444 = tpu.memref_slice %arg7[%rem3A_432, %dma_start3A_442, %dma_start3A_443] : memref<3x32x80xi32, #tpu.memory_space<vmem>> -> memref<1x32x80xi32, #tpu.memory_space<vmem>>
            %dma_start3A_445 = tpu.memref_squeeze %dma_start3A_444 : memref<1x32x80xi32, #tpu.memory_space<vmem>> -> memref<32x80xi32, #tpu.memory_space<vmem>>
            %dma_start3A_446 = arith.constant 0 : i32
            %dma_start3A_447 = tpu.memref_slice %arg2[%add3A_435, %dma_start3A_446] : memref<10240x80xi32, #tpu.memory_space<hbm>> -> memref<32x80xi32, #tpu.memory_space<hbm>>
            tpu.enqueue_dma source(%dma_start3A_447 : memref<32x80xi32, #tpu.memory_space<hbm>>) target(%dma_start3A_445 : memref<32x80xi32, #tpu.memory_space<vmem>>) target_semaphore(%arg34 : memref<!tpu.dma_semaphore, #tpu.memory_space<semaphore_mem>>)
            %dma_start3A_448 = arith.constant 0 : i32
            %dma_start3A_449 = arith.constant 0 : i32
            %dma_start3A_450 = tpu.memref_slice %arg8[%rem3A_432, %dma_start3A_448, %dma_start3A_449] : memref<3x32x80xi32, #tpu.memory_space<vmem>> -> memref<1x32x80xi32, #tpu.memory_space<vmem>>
            %dma_start3A_451 = tpu.memref_squeeze %dma_start3A_450 : memref<1x32x80xi32, #tpu.memory_space<vmem>> -> memref<32x80xi32, #tpu.memory_space<vmem>>
            %dma_start3A_452 = arith.constant 0 : i32
            %dma_start3A_453 = tpu.memref_slice %arg3[%add3A_435, %dma_start3A_452] : memref<10240x80xi32, #tpu.memory_space<hbm>> -> memref<32x80xi32, #tpu.memory_space<hbm>>
            %dma_start3A_454 = arith.constant 0 : i32
            %dma_start3A_455 = arith.constant 0 : i32
            %dma_start3A_456 = tpu.memref_slice %arg8[%rem3A_432, %dma_start3A_454, %dma_start3A_455] : memref<3x32x80xi32, #tpu.memory_space<vmem>> -> memref<1x32x80xi32, #tpu.memory_space<vmem>>
            %dma_start3A_457 = tpu.memref_squeeze %dma_start3A_456 : memref<1x32x80xi32, #tpu.memory_space<vmem>> -> memref<32x80xi32, #tpu.memory_space<vmem>>
            %dma_start3A_458 = arith.constant 0 : i32
            %dma_start3A_459 = tpu.memref_slice %arg3[%add3A_435, %dma_start3A_458] : memref<10240x80xi32, #tpu.memory_space<hbm>> -> memref<32x80xi32, #tpu.memory_space<hbm>>
            tpu.enqueue_dma source(%dma_start3A_459 : memref<32x80xi32, #tpu.memory_space<hbm>>) target(%dma_start3A_457 : memref<32x80xi32, #tpu.memory_space<vmem>>) target_semaphore(%arg35 : memref<!tpu.dma_semaphore, #tpu.memory_space<semaphore_mem>>)
          } else {
          }
        } else {
        }
        %div3A_370 = arith.constant 32 : i32
        %div3A_371 = arith.divsi %add3A_246, %div3A_370 : i32
        %rem3A_372 = arith.constant 3 : i32
        %rem3A_373 = arith.remsi %div3A_371, %rem3A_372 : i32
        %rem3A_374 = arith.constant 32 : i32
        %rem3A_375 = arith.remsi %add3A_246, %rem3A_374 : i32
        %dma_start3A_376 = arith.constant 0 : i32
        %dma_start3A_377 = tpu.memref_slice %arg7[%rem3A_373, %rem3A_375, %dma_start3A_376] : memref<3x32x80xi32, #tpu.memory_space<vmem>> -> memref<1x1x80xi32, #tpu.memory_space<vmem>>
        %dma_start3A_378 = tpu.memref_squeeze %dma_start3A_377 : memref<1x1x80xi32, #tpu.memory_space<vmem>> -> memref<80xi32, #tpu.memory_space<vmem>>
        %dma_start3A_379 = arith.constant 0 : i32
        %dma_start3A_380 = arith.constant 0 : i32
        %dma_start3A_381 = tpu.memref_slice %arg4[%dma_start3A_379, %dma_start3A_380] : memref<100000x128xf32, #tpu.memory_space<hbm>> -> memref<100000x128xf32, #tpu.memory_space<hbm>>
        tpu.enqueue_indirect_dma source(%dma_start3A_381 : memref<100000x128xf32, #tpu.memory_space<hbm>>) target(%arg13 : memref<80x128xf32, #tpu.memory_space<vmem>>) offsets(%dma_start3A_378 : memref<80xi32, #tpu.memory_space<vmem>>) semaphore(%arg23 : memref<!tpu.dma_semaphore, #tpu.memory_space<semaphore_mem>>)
        %dma_start3A_382 = arith.constant 0 : i32
        %dma_start3A_383 = tpu.memref_slice %arg8[%rem3A_373, %rem3A_375, %dma_start3A_382] : memref<3x32x80xi32, #tpu.memory_space<vmem>> -> memref<1x1x80xi32, #tpu.memory_space<vmem>>
        %dma_start3A_384 = tpu.memref_squeeze %dma_start3A_383 : memref<1x1x80xi32, #tpu.memory_space<vmem>> -> memref<80xi32, #tpu.memory_space<vmem>>
        %dma_start3A_385 = arith.constant 0 : i32
        %dma_start3A_386 = arith.constant 0 : i32
        %dma_start3A_387 = tpu.memref_slice %arg5[%dma_start3A_385, %dma_start3A_386] : memref<100000x128xf32, #tpu.memory_space<hbm>> -> memref<100000x128xf32, #tpu.memory_space<hbm>>
        tpu.enqueue_indirect_dma source(%dma_start3A_387 : memref<100000x128xf32, #tpu.memory_space<hbm>>) target(%arg18 : memref<80x128xf32, #tpu.memory_space<vmem>>) offsets(%dma_start3A_384 : memref<80xi32, #tpu.memory_space<vmem>>) semaphore(%arg28 : memref<!tpu.dma_semaphore, #tpu.memory_space<semaphore_mem>>)
      } else {
      }
      %mul3A_252 = arith.constant 5 : i32
      %mul3A_253 = arith.muli %mul3A_252, %scan3A_182 : i32
      %add3A_254 = arith.constant 2 : i32
      %add3A_255 = arith.addi %mul3A_253, %add3A_254 : i32
      %dma_wait3A_256 = arith.constant 0 : i32
      %dma_wait3A_257 = arith.constant 0 : i32
      %dma_wait3A_258 = tpu.memref_slice %arg4[%dma_wait3A_256, %dma_wait3A_257] : memref<100000x128xf32, #tpu.memory_space<hbm>> -> memref<80x128xf32, #tpu.memory_space<hbm>>
      %dma_wait3A_259 = arith.constant 0 : i32
      %dma_wait3A_260 = arith.constant 0 : i32
      %dma_wait3A_261 = tpu.memref_slice %arg4[%dma_wait3A_259, %dma_wait3A_260] : memref<100000x128xf32, #tpu.memory_space<hbm>> -> memref<80x128xf32, #tpu.memory_space<hbm>>
      tpu.wait_dma2 semaphore(%arg21 : memref<!tpu.dma_semaphore, #tpu.memory_space<semaphore_mem>>) src(%dma_wait3A_261 : memref<80x128xf32, #tpu.memory_space<hbm>>) dst(%arg11 : memref<80x128xf32, #tpu.memory_space<vmem>>)
      %dma_wait3A_262 = arith.constant 0 : i32
      %dma_wait3A_263 = arith.constant 0 : i32
      %dma_wait3A_264 = tpu.memref_slice %arg4[%dma_wait3A_262, %dma_wait3A_263] : memref<100000x128xf32, #tpu.memory_space<hbm>> -> memref<80x128xf32, #tpu.memory_space<hbm>>
      %dma_wait3A_265 = arith.constant 0 : i32
      %dma_wait3A_266 = arith.constant 0 : i32
      %dma_wait3A_267 = tpu.memref_slice %arg4[%dma_wait3A_265, %dma_wait3A_266] : memref<100000x128xf32, #tpu.memory_space<hbm>> -> memref<80x128xf32, #tpu.memory_space<hbm>>
      tpu.wait_dma2 semaphore(%arg26 : memref<!tpu.dma_semaphore, #tpu.memory_space<semaphore_mem>>) src(%dma_wait3A_267 : memref<80x128xf32, #tpu.memory_space<hbm>>) dst(%arg16 : memref<80x128xf32, #tpu.memory_space<vmem>>)
      %scan3A_268 = arith.constant 0 : i32
      %scan3A_269 = arith.constant 0 : i32
      %scan3A_270 = arith.constant 80 : i32
      %scan3A_271 = arith.addi %scan3A_269, %scan3A_270 : i32
      %scan3A_272 = arith.constant 1 : i32
      scf.for %scan3A_360 = %scan3A_269 to %scan3A_271 step %scan3A_272  : i32 {
        %get3A = arith.index_cast %scan3A_360 : i32 to index
        %get3A_361 = arith.constant 0 : index
        %get3A_362 = tpu.vector_load %arg16[%get3A, %get3A_361] {strides = array<i32>} : memref<80x128xf32, #tpu.memory_space<vmem>>, vector<1x16xf32>,
        %get3A_363 = vector.shape_cast %get3A_362 : vector<1x16xf32> to vector<16xf32>
        %swap3A = arith.index_cast %scan3A_360 : i32 to index
        %swap3A_364 = arith.constant 0 : index
        %swap3A_365 = tpu.vector_load %arg11[%swap3A, %swap3A_364] {strides = array<i32>} : memref<80x128xf32, #tpu.memory_space<vmem>>, vector<1x16xf32>,
        %swap3A_366 = vector.shape_cast %swap3A_365 : vector<1x16xf32> to vector<16xf32>
        %swap3A_367 = vector.shape_cast %get3A_363 : vector<16xf32> to vector<1x16xf32>
        tpu.vector_store %arg11[%swap3A, %swap3A_364], %swap3A_367 {add = true, strides = array<i32>} : memref<80x128xf32, #tpu.memory_space<vmem>>, vector<1x16xf32>,
        %get3A_368 = arith.index_cast %scan3A_360 : i32 to index
        %get3A_369 = arith.constant 16 : index
        %get3A_370 = tpu.vector_load %arg16[%get3A_368, %get3A_369] {strides = array<i32>} : memref<80x128xf32, #tpu.memory_space<vmem>>, vector<1x16xf32>,
        %get3A_371 = vector.shape_cast %get3A_370 : vector<1x16xf32> to vector<16xf32>
        %swap3A_372 = arith.index_cast %scan3A_360 : i32 to index
        %swap3A_373 = arith.constant 16 : index
        %swap3A_374 = tpu.vector_load %arg11[%swap3A_372, %swap3A_373] {strides = array<i32>} : memref<80x128xf32, #tpu.memory_space<vmem>>, vector<1x16xf32>,
        %swap3A_375 = vector.shape_cast %swap3A_374 : vector<1x16xf32> to vector<16xf32>
        %swap3A_376 = vector.shape_cast %get3A_371 : vector<16xf32> to vector<1x16xf32>
        tpu.vector_store %arg11[%swap3A_372, %swap3A_373], %swap3A_376 {add = true, strides = array<i32>} : memref<80x128xf32, #tpu.memory_space<vmem>>, vector<1x16xf32>,
        %get3A_377 = arith.index_cast %scan3A_360 : i32 to index
        %get3A_378 = arith.constant 32 : index
        %get3A_379 = tpu.vector_load %arg16[%get3A_377, %get3A_378] {strides = array<i32>} : memref<80x128xf32, #tpu.memory_space<vmem>>, vector<1x16xf32>,
        %get3A_380 = vector.shape_cast %get3A_379 : vector<1x16xf32> to vector<16xf32>
        %swap3A_381 = arith.index_cast %scan3A_360 : i32 to index
        %swap3A_382 = arith.constant 32 : index
        %swap3A_383 = tpu.vector_load %arg11[%swap3A_381, %swap3A_382] {strides = array<i32>} : memref<80x128xf32, #tpu.memory_space<vmem>>, vector<1x16xf32>,
        %swap3A_384 = vector.shape_cast %swap3A_383 : vector<1x16xf32> to vector<16xf32>
        %swap3A_385 = vector.shape_cast %get3A_380 : vector<16xf32> to vector<1x16xf32>
        tpu.vector_store %arg11[%swap3A_381, %swap3A_382], %swap3A_385 {add = true, strides = array<i32>} : memref<80x128xf32, #tpu.memory_space<vmem>>, vector<1x16xf32>,
        %get3A_386 = arith.index_cast %scan3A_360 : i32 to index
        %get3A_387 = arith.constant 48 : index
        %get3A_388 = tpu.vector_load %arg16[%get3A_386, %get3A_387] {strides = array<i32>} : memref<80x128xf32, #tpu.memory_space<vmem>>, vector<1x16xf32>,
        %get3A_389 = vector.shape_cast %get3A_388 : vector<1x16xf32> to vector<16xf32>
        %swap3A_390 = arith.index_cast %scan3A_360 : i32 to index
        %swap3A_391 = arith.constant 48 : index
        %swap3A_392 = tpu.vector_load %arg11[%swap3A_390, %swap3A_391] {strides = array<i32>} : memref<80x128xf32, #tpu.memory_space<vmem>>, vector<1x16xf32>,
        %swap3A_393 = vector.shape_cast %swap3A_392 : vector<1x16xf32> to vector<16xf32>
        %swap3A_394 = vector.shape_cast %get3A_389 : vector<16xf32> to vector<1x16xf32>
        tpu.vector_store %arg11[%swap3A_390, %swap3A_391], %swap3A_394 {add = true, strides = array<i32>} : memref<80x128xf32, #tpu.memory_space<vmem>>, vector<1x16xf32>,
        %get3A_395 = arith.index_cast %scan3A_360 : i32 to index
        %get3A_396 = arith.constant 64 : index
        %get3A_397 = tpu.vector_load %arg16[%get3A_395, %get3A_396] {strides = array<i32>} : memref<80x128xf32, #tpu.memory_space<vmem>>, vector<1x16xf32>,
        %get3A_398 = vector.shape_cast %get3A_397 : vector<1x16xf32> to vector<16xf32>
        %swap3A_399 = arith.index_cast %scan3A_360 : i32 to index
        %swap3A_400 = arith.constant 64 : index
        %swap3A_401 = tpu.vector_load %arg11[%swap3A_399, %swap3A_400] {strides = array<i32>} : memref<80x128xf32, #tpu.memory_space<vmem>>, vector<1x16xf32>,
        %swap3A_402 = vector.shape_cast %swap3A_401 : vector<1x16xf32> to vector<16xf32>
        %swap3A_403 = vector.shape_cast %get3A_398 : vector<16xf32> to vector<1x16xf32>
        tpu.vector_store %arg11[%swap3A_399, %swap3A_400], %swap3A_403 {add = true, strides = array<i32>} : memref<80x128xf32, #tpu.memory_space<vmem>>, vector<1x16xf32>,
        %get3A_404 = arith.index_cast %scan3A_360 : i32 to index
        %get3A_405 = arith.constant 80 : index
        %get3A_406 = tpu.vector_load %arg16[%get3A_404, %get3A_405] {strides = array<i32>} : memref<80x128xf32, #tpu.memory_space<vmem>>, vector<1x16xf32>,
        %get3A_407 = vector.shape_cast %get3A_406 : vector<1x16xf32> to vector<16xf32>
        %swap3A_408 = arith.index_cast %scan3A_360 : i32 to index
        %swap3A_409 = arith.constant 80 : index
        %swap3A_410 = tpu.vector_load %arg11[%swap3A_408, %swap3A_409] {strides = array<i32>} : memref<80x128xf32, #tpu.memory_space<vmem>>, vector<1x16xf32>,
        %swap3A_411 = vector.shape_cast %swap3A_410 : vector<1x16xf32> to vector<16xf32>
        %swap3A_412 = vector.shape_cast %get3A_407 : vector<16xf32> to vector<1x16xf32>
        tpu.vector_store %arg11[%swap3A_408, %swap3A_409], %swap3A_412 {add = true, strides = array<i32>} : memref<80x128xf32, #tpu.memory_space<vmem>>, vector<1x16xf32>,
        %get3A_413 = arith.index_cast %scan3A_360 : i32 to index
        %get3A_414 = arith.constant 96 : index
        %get3A_415 = tpu.vector_load %arg16[%get3A_413, %get3A_414] {strides = array<i32>} : memref<80x128xf32, #tpu.memory_space<vmem>>, vector<1x16xf32>,
        %get3A_416 = vector.shape_cast %get3A_415 : vector<1x16xf32> to vector<16xf32>
        %swap3A_417 = arith.index_cast %scan3A_360 : i32 to index
        %swap3A_418 = arith.constant 96 : index
        %swap3A_419 = tpu.vector_load %arg11[%swap3A_417, %swap3A_418] {strides = array<i32>} : memref<80x128xf32, #tpu.memory_space<vmem>>, vector<1x16xf32>,
        %swap3A_420 = vector.shape_cast %swap3A_419 : vector<1x16xf32> to vector<16xf32>
        %swap3A_421 = vector.shape_cast %get3A_416 : vector<16xf32> to vector<1x16xf32>
        tpu.vector_store %arg11[%swap3A_417, %swap3A_418], %swap3A_421 {add = true, strides = array<i32>} : memref<80x128xf32, #tpu.memory_space<vmem>>, vector<1x16xf32>,
        %get3A_422 = arith.index_cast %scan3A_360 : i32 to index
        %get3A_423 = arith.constant 112 : index
        %get3A_424 = tpu.vector_load %arg16[%get3A_422, %get3A_423] {strides = array<i32>} : memref<80x128xf32, #tpu.memory_space<vmem>>, vector<1x16xf32>,
        %get3A_425 = vector.shape_cast %get3A_424 : vector<1x16xf32> to vector<16xf32>
        %swap3A_426 = arith.index_cast %scan3A_360 : i32 to index
        %swap3A_427 = arith.constant 112 : index
        %swap3A_428 = tpu.vector_load %arg11[%swap3A_426, %swap3A_427] {strides = array<i32>} : memref<80x128xf32, #tpu.memory_space<vmem>>, vector<1x16xf32>,
        %swap3A_429 = vector.shape_cast %swap3A_428 : vector<1x16xf32> to vector<16xf32>
        %swap3A_430 = vector.shape_cast %get3A_425 : vector<16xf32> to vector<1x16xf32>
        tpu.vector_store %arg11[%swap3A_426, %swap3A_427], %swap3A_430 {add = true, strides = array<i32>} : memref<80x128xf32, #tpu.memory_space<vmem>>, vector<1x16xf32>,
      }
      %scan3A_273 = arith.constant 80 : i32
      %add3A_274 = arith.addi %mul3A_2, %add3A_255 : i32
      %mul3A_275 = arith.constant 80 : i32
      %mul3A_276 = arith.muli %add3A_274, %mul3A_275 : i32
      %dma_start3A_277 = arith.constant 0 : i32
      %dma_start3A_278 = tpu.memref_slice %arg6[%mul3A_276, %dma_start3A_277] : memref<819200x128xf32, #tpu.memory_space<hbm>> -> memref<80x128xf32, #tpu.memory_space<hbm>>
      %dma_start3A_279 = arith.constant 0 : i32
      %dma_start3A_280 = tpu.memref_slice %arg6[%mul3A_276, %dma_start3A_279] : memref<819200x128xf32, #tpu.memory_space<hbm>> -> memref<80x128xf32, #tpu.memory_space<hbm>>
      tpu.enqueue_dma source(%arg11 : memref<80x128xf32, #tpu.memory_space<vmem>>) target(%dma_start3A_280 : memref<80x128xf32, #tpu.memory_space<hbm>>) target_semaphore(%arg31 : memref<!tpu.dma_semaphore, #tpu.memory_space<semaphore_mem>>)
      %add3A_281 = arith.constant 3 : i32
      %add3A_282 = arith.addi %add3A_255, %add3A_281 : i32
      %lt3A_283 = arith.constant 320 : i32
      %lt3A_284 = arith.cmpi slt, %add3A_282, %lt3A_283 : i32
      %convert_element_type3A_285 = arith.extui %lt3A_284 : i1 to i32
      %cond3A_286 = arith.constant 0 : i32
      %cond3A_287 = arith.cmpi ne, %convert_element_type3A_285, %cond3A_286 : i32
      scf.if %cond3A_287 {
        %dma_wait3A_360 = arith.constant 0 : i32
        %dma_wait3A_361 = arith.constant 0 : i32
        %dma_wait3A_362 = tpu.memref_slice %arg4[%dma_wait3A_360, %dma_wait3A_361] : memref<100000x128xf32, #tpu.memory_space<hbm>> -> memref<80x128xf32, #tpu.memory_space<hbm>>
        %dma_wait3A_363 = arith.constant 0 : i32
        %dma_wait3A_364 = arith.constant 0 : i32
        %dma_wait3A_365 = tpu.memref_slice %arg4[%dma_wait3A_363, %dma_wait3A_364] : memref<100000x128xf32, #tpu.memory_space<hbm>> -> memref<80x128xf32, #tpu.memory_space<hbm>>
        tpu.wait_dma2 semaphore(%arg29 : memref<!tpu.dma_semaphore, #tpu.memory_space<semaphore_mem>>) src(%dma_wait3A_365 : memref<80x128xf32, #tpu.memory_space<hbm>>) dst(%arg9 : memref<80x128xf32, #tpu.memory_space<vmem>>)
        %rem3A_366 = arith.constant 32 : i32
        %rem3A_367 = arith.remsi %add3A_282, %rem3A_366 : i32
        %eq3A = arith.constant 0 : i32
        %eq3A_368 = arith.cmpi eq, %rem3A_367, %eq3A : i32
        %convert_element_type3A_369 = arith.extui %eq3A_368 : i1 to i32
        %cond3A_370 = arith.constant 0 : i32
        %cond3A_371 = arith.cmpi ne, %convert_element_type3A_369, %cond3A_370 : i32
        scf.if %cond3A_371 {
          %dma_wait3A_390 = arith.constant 0 : i32
          %dma_wait3A_391 = arith.constant 0 : i32
          %dma_wait3A_392 = arith.constant 0 : i32
          %dma_wait3A_393 = tpu.memref_slice %arg7[%dma_wait3A_390, %dma_wait3A_391, %dma_wait3A_392] : memref<3x32x80xi32, #tpu.memory_space<vmem>> -> memref<1x32x80xi32, #tpu.memory_space<vmem>>
          %dma_wait3A_394 = tpu.memref_squeeze %dma_wait3A_393 : memref<1x32x80xi32, #tpu.memory_space<vmem>> -> memref<32x80xi32, #tpu.memory_space<vmem>>
          %dma_wait3A_395 = arith.constant 0 : i32
          %dma_wait3A_396 = arith.constant 0 : i32
          %dma_wait3A_397 = tpu.memref_slice %arg2[%dma_wait3A_395, %dma_wait3A_396] : memref<10240x80xi32, #tpu.memory_space<hbm>> -> memref<32x80xi32, #tpu.memory_space<hbm>>
          %dma_wait3A_398 = arith.constant 0 : i32
          %dma_wait3A_399 = arith.constant 0 : i32
          %dma_wait3A_400 = tpu.memref_slice %arg7[%dma_wait3A_390, %dma_wait3A_398, %dma_wait3A_399] : memref<3x32x80xi32, #tpu.memory_space<vmem>> -> memref<1x32x80xi32, #tpu.memory_space<vmem>>
          %dma_wait3A_401 = tpu.memref_squeeze %dma_wait3A_400 : memref<1x32x80xi32, #tpu.memory_space<vmem>> -> memref<32x80xi32, #tpu.memory_space<vmem>>
          %dma_wait3A_402 = arith.constant 0 : i32
          %dma_wait3A_403 = arith.constant 0 : i32
          %dma_wait3A_404 = tpu.memref_slice %arg2[%dma_wait3A_402, %dma_wait3A_403] : memref<10240x80xi32, #tpu.memory_space<hbm>> -> memref<32x80xi32, #tpu.memory_space<hbm>>
          tpu.wait_dma2 semaphore(%arg34 : memref<!tpu.dma_semaphore, #tpu.memory_space<semaphore_mem>>) src(%dma_wait3A_404 : memref<32x80xi32, #tpu.memory_space<hbm>>) dst(%dma_wait3A_401 : memref<32x80xi32, #tpu.memory_space<vmem>>)
          %dma_wait3A_405 = arith.constant 0 : i32
          %dma_wait3A_406 = arith.constant 0 : i32
          %dma_wait3A_407 = arith.constant 0 : i32
          %dma_wait3A_408 = tpu.memref_slice %arg8[%dma_wait3A_405, %dma_wait3A_406, %dma_wait3A_407] : memref<3x32x80xi32, #tpu.memory_space<vmem>> -> memref<1x32x80xi32, #tpu.memory_space<vmem>>
          %dma_wait3A_409 = tpu.memref_squeeze %dma_wait3A_408 : memref<1x32x80xi32, #tpu.memory_space<vmem>> -> memref<32x80xi32, #tpu.memory_space<vmem>>
          %dma_wait3A_410 = arith.constant 0 : i32
          %dma_wait3A_411 = arith.constant 0 : i32
          %dma_wait3A_412 = tpu.memref_slice %arg3[%dma_wait3A_410, %dma_wait3A_411] : memref<10240x80xi32, #tpu.memory_space<hbm>> -> memref<32x80xi32, #tpu.memory_space<hbm>>
          %dma_wait3A_413 = arith.constant 0 : i32
          %dma_wait3A_414 = arith.constant 0 : i32
          %dma_wait3A_415 = tpu.memref_slice %arg8[%dma_wait3A_405, %dma_wait3A_413, %dma_wait3A_414] : memref<3x32x80xi32, #tpu.memory_space<vmem>> -> memref<1x32x80xi32, #tpu.memory_space<vmem>>
          %dma_wait3A_416 = tpu.memref_squeeze %dma_wait3A_415 : memref<1x32x80xi32, #tpu.memory_space<vmem>> -> memref<32x80xi32, #tpu.memory_space<vmem>>
          %dma_wait3A_417 = arith.constant 0 : i32
          %dma_wait3A_418 = arith.constant 0 : i32
          %dma_wait3A_419 = tpu.memref_slice %arg3[%dma_wait3A_417, %dma_wait3A_418] : memref<10240x80xi32, #tpu.memory_space<hbm>> -> memref<32x80xi32, #tpu.memory_space<hbm>>
          tpu.wait_dma2 semaphore(%arg35 : memref<!tpu.dma_semaphore, #tpu.memory_space<semaphore_mem>>) src(%dma_wait3A_419 : memref<32x80xi32, #tpu.memory_space<hbm>>) dst(%dma_wait3A_416 : memref<32x80xi32, #tpu.memory_space<vmem>>)
          %div3A_420 = arith.constant 32 : i32
          %div3A_421 = arith.divsi %add3A_282, %div3A_420 : i32
          %add3A_422 = arith.constant 1 : i32
          %add3A_423 = arith.addi %div3A_421, %add3A_422 : i32
          %lt3A_424 = arith.constant 10 : i32
          %lt3A_425 = arith.cmpi slt, %add3A_423, %lt3A_424 : i32
          %convert_element_type3A_426 = arith.extui %lt3A_425 : i1 to i32
          %cond3A_427 = arith.constant 0 : i32
          %cond3A_428 = arith.cmpi ne, %convert_element_type3A_426, %cond3A_427 : i32
          scf.if %cond3A_428 {
            %div3A_429 = arith.constant 32 : i32
            %div3A_430 = arith.divsi %add3A_282, %div3A_429 : i32
            %add3A_431 = arith.constant 1 : i32
            %add3A_432 = arith.addi %div3A_430, %add3A_431 : i32
            %rem3A_433 = arith.constant 3 : i32
            %rem3A_434 = arith.remsi %add3A_432, %rem3A_433 : i32
            %mul3A_435 = arith.constant 32 : i32
            %mul3A_436 = arith.muli %add3A_432, %mul3A_435 : i32
            %add3A_437 = arith.addi %mul3A_2, %mul3A_436 : i32
            %dma_start3A_438 = arith.constant 0 : i32
            %dma_start3A_439 = arith.constant 0 : i32
            %dma_start3A_440 = tpu.memref_slice %arg7[%rem3A_434, %dma_start3A_438, %dma_start3A_439] : memref<3x32x80xi32, #tpu.memory_space<vmem>> -> memref<1x32x80xi32, #tpu.memory_space<vmem>>
            %dma_start3A_441 = tpu.memref_squeeze %dma_start3A_440 : memref<1x32x80xi32, #tpu.memory_space<vmem>> -> memref<32x80xi32, #tpu.memory_space<vmem>>
            %dma_start3A_442 = arith.constant 0 : i32
            %dma_start3A_443 = tpu.memref_slice %arg2[%add3A_437, %dma_start3A_442] : memref<10240x80xi32, #tpu.memory_space<hbm>> -> memref<32x80xi32, #tpu.memory_space<hbm>>
            %dma_start3A_444 = arith.constant 0 : i32
            %dma_start3A_445 = arith.constant 0 : i32
            %dma_start3A_446 = tpu.memref_slice %arg7[%rem3A_434, %dma_start3A_444, %dma_start3A_445] : memref<3x32x80xi32, #tpu.memory_space<vmem>> -> memref<1x32x80xi32, #tpu.memory_space<vmem>>
            %dma_start3A_447 = tpu.memref_squeeze %dma_start3A_446 : memref<1x32x80xi32, #tpu.memory_space<vmem>> -> memref<32x80xi32, #tpu.memory_space<vmem>>
            %dma_start3A_448 = arith.constant 0 : i32
            %dma_start3A_449 = tpu.memref_slice %arg2[%add3A_437, %dma_start3A_448] : memref<10240x80xi32, #tpu.memory_space<hbm>> -> memref<32x80xi32, #tpu.memory_space<hbm>>
            tpu.enqueue_dma source(%dma_start3A_449 : memref<32x80xi32, #tpu.memory_space<hbm>>) target(%dma_start3A_447 : memref<32x80xi32, #tpu.memory_space<vmem>>) target_semaphore(%arg34 : memref<!tpu.dma_semaphore, #tpu.memory_space<semaphore_mem>>)
            %dma_start3A_450 = arith.constant 0 : i32
            %dma_start3A_451 = arith.constant 0 : i32
            %dma_start3A_452 = tpu.memref_slice %arg8[%rem3A_434, %dma_start3A_450, %dma_start3A_451] : memref<3x32x80xi32, #tpu.memory_space<vmem>> -> memref<1x32x80xi32, #tpu.memory_space<vmem>>
            %dma_start3A_453 = tpu.memref_squeeze %dma_start3A_452 : memref<1x32x80xi32, #tpu.memory_space<vmem>> -> memref<32x80xi32, #tpu.memory_space<vmem>>
            %dma_start3A_454 = arith.constant 0 : i32
            %dma_start3A_455 = tpu.memref_slice %arg3[%add3A_437, %dma_start3A_454] : memref<10240x80xi32, #tpu.memory_space<hbm>> -> memref<32x80xi32, #tpu.memory_space<hbm>>
            %dma_start3A_456 = arith.constant 0 : i32
            %dma_start3A_457 = arith.constant 0 : i32
            %dma_start3A_458 = tpu.memref_slice %arg8[%rem3A_434, %dma_start3A_456, %dma_start3A_457] : memref<3x32x80xi32, #tpu.memory_space<vmem>> -> memref<1x32x80xi32, #tpu.memory_space<vmem>>
            %dma_start3A_459 = tpu.memref_squeeze %dma_start3A_458 : memref<1x32x80xi32, #tpu.memory_space<vmem>> -> memref<32x80xi32, #tpu.memory_space<vmem>>
            %dma_start3A_460 = arith.constant 0 : i32
            %dma_start3A_461 = tpu.memref_slice %arg3[%add3A_437, %dma_start3A_460] : memref<10240x80xi32, #tpu.memory_space<hbm>> -> memref<32x80xi32, #tpu.memory_space<hbm>>
            tpu.enqueue_dma source(%dma_start3A_461 : memref<32x80xi32, #tpu.memory_space<hbm>>) target(%dma_start3A_459 : memref<32x80xi32, #tpu.memory_space<vmem>>) target_semaphore(%arg35 : memref<!tpu.dma_semaphore, #tpu.memory_space<semaphore_mem>>)
          } else {
          }
        } else {
        }
        %div3A_372 = arith.constant 32 : i32
        %div3A_373 = arith.divsi %add3A_282, %div3A_372 : i32
        %rem3A_374 = arith.constant 3 : i32
        %rem3A_375 = arith.remsi %div3A_373, %rem3A_374 : i32
        %rem3A_376 = arith.constant 32 : i32
        %rem3A_377 = arith.remsi %add3A_282, %rem3A_376 : i32
        %dma_start3A_378 = arith.constant 0 : i32
        %dma_start3A_379 = tpu.memref_slice %arg7[%rem3A_375, %rem3A_377, %dma_start3A_378] : memref<3x32x80xi32, #tpu.memory_space<vmem>> -> memref<1x1x80xi32, #tpu.memory_space<vmem>>
        %dma_start3A_380 = tpu.memref_squeeze %dma_start3A_379 : memref<1x1x80xi32, #tpu.memory_space<vmem>> -> memref<80xi32, #tpu.memory_space<vmem>>
        %dma_start3A_381 = arith.constant 0 : i32
        %dma_start3A_382 = arith.constant 0 : i32
        %dma_start3A_383 = tpu.memref_slice %arg4[%dma_start3A_381, %dma_start3A_382] : memref<100000x128xf32, #tpu.memory_space<hbm>> -> memref<100000x128xf32, #tpu.memory_space<hbm>>
        tpu.enqueue_indirect_dma source(%dma_start3A_383 : memref<100000x128xf32, #tpu.memory_space<hbm>>) target(%arg9 : memref<80x128xf32, #tpu.memory_space<vmem>>) offsets(%dma_start3A_380 : memref<80xi32, #tpu.memory_space<vmem>>) semaphore(%arg19 : memref<!tpu.dma_semaphore, #tpu.memory_space<semaphore_mem>>)
        %dma_start3A_384 = arith.constant 0 : i32
        %dma_start3A_385 = tpu.memref_slice %arg8[%rem3A_375, %rem3A_377, %dma_start3A_384] : memref<3x32x80xi32, #tpu.memory_space<vmem>> -> memref<1x1x80xi32, #tpu.memory_space<vmem>>
        %dma_start3A_386 = tpu.memref_squeeze %dma_start3A_385 : memref<1x1x80xi32, #tpu.memory_space<vmem>> -> memref<80xi32, #tpu.memory_space<vmem>>
        %dma_start3A_387 = arith.constant 0 : i32
        %dma_start3A_388 = arith.constant 0 : i32
        %dma_start3A_389 = tpu.memref_slice %arg5[%dma_start3A_387, %dma_start3A_388] : memref<100000x128xf32, #tpu.memory_space<hbm>> -> memref<100000x128xf32, #tpu.memory_space<hbm>>
        tpu.enqueue_indirect_dma source(%dma_start3A_389 : memref<100000x128xf32, #tpu.memory_space<hbm>>) target(%arg14 : memref<80x128xf32, #tpu.memory_space<vmem>>) offsets(%dma_start3A_386 : memref<80xi32, #tpu.memory_space<vmem>>) semaphore(%arg24 : memref<!tpu.dma_semaphore, #tpu.memory_space<semaphore_mem>>)
      } else {
      }
      %mul3A_288 = arith.constant 5 : i32
      %mul3A_289 = arith.muli %mul3A_288, %scan3A_182 : i32
      %add3A_290 = arith.constant 3 : i32
      %add3A_291 = arith.addi %mul3A_289, %add3A_290 : i32
      %dma_wait3A_292 = arith.constant 0 : i32
      %dma_wait3A_293 = arith.constant 0 : i32
      %dma_wait3A_294 = tpu.memref_slice %arg4[%dma_wait3A_292, %dma_wait3A_293] : memref<100000x128xf32, #tpu.memory_space<hbm>> -> memref<80x128xf32, #tpu.memory_space<hbm>>
      %dma_wait3A_295 = arith.constant 0 : i32
      %dma_wait3A_296 = arith.constant 0 : i32
      %dma_wait3A_297 = tpu.memref_slice %arg4[%dma_wait3A_295, %dma_wait3A_296] : memref<100000x128xf32, #tpu.memory_space<hbm>> -> memref<80x128xf32, #tpu.memory_space<hbm>>
      tpu.wait_dma2 semaphore(%arg22 : memref<!tpu.dma_semaphore, #tpu.memory_space<semaphore_mem>>) src(%dma_wait3A_297 : memref<80x128xf32, #tpu.memory_space<hbm>>) dst(%arg12 : memref<80x128xf32, #tpu.memory_space<vmem>>)
      %dma_wait3A_298 = arith.constant 0 : i32
      %dma_wait3A_299 = arith.constant 0 : i32
      %dma_wait3A_300 = tpu.memref_slice %arg4[%dma_wait3A_298, %dma_wait3A_299] : memref<100000x128xf32, #tpu.memory_space<hbm>> -> memref<80x128xf32, #tpu.memory_space<hbm>>
      %dma_wait3A_301 = arith.constant 0 : i32
      %dma_wait3A_302 = arith.constant 0 : i32
      %dma_wait3A_303 = tpu.memref_slice %arg4[%dma_wait3A_301, %dma_wait3A_302] : memref<100000x128xf32, #tpu.memory_space<hbm>> -> memref<80x128xf32, #tpu.memory_space<hbm>>
      tpu.wait_dma2 semaphore(%arg27 : memref<!tpu.dma_semaphore, #tpu.memory_space<semaphore_mem>>) src(%dma_wait3A_303 : memref<80x128xf32, #tpu.memory_space<hbm>>) dst(%arg17 : memref<80x128xf32, #tpu.memory_space<vmem>>)
      %scan3A_304 = arith.constant 0 : i32
      %scan3A_305 = arith.constant 0 : i32
      %scan3A_306 = arith.constant 80 : i32
      %scan3A_307 = arith.addi %scan3A_305, %scan3A_306 : i32
      %scan3A_308 = arith.constant 1 : i32
      scf.for %scan3A_360 = %scan3A_305 to %scan3A_307 step %scan3A_308  : i32 {
        %get3A = arith.index_cast %scan3A_360 : i32 to index
        %get3A_361 = arith.constant 0 : index
        %get3A_362 = tpu.vector_load %arg17[%get3A, %get3A_361] {strides = array<i32>} : memref<80x128xf32, #tpu.memory_space<vmem>>, vector<1x16xf32>,
        %get3A_363 = vector.shape_cast %get3A_362 : vector<1x16xf32> to vector<16xf32>
        %swap3A = arith.index_cast %scan3A_360 : i32 to index
        %swap3A_364 = arith.constant 0 : index
        %swap3A_365 = tpu.vector_load %arg12[%swap3A, %swap3A_364] {strides = array<i32>} : memref<80x128xf32, #tpu.memory_space<vmem>>, vector<1x16xf32>,
        %swap3A_366 = vector.shape_cast %swap3A_365 : vector<1x16xf32> to vector<16xf32>
        %swap3A_367 = vector.shape_cast %get3A_363 : vector<16xf32> to vector<1x16xf32>
        tpu.vector_store %arg12[%swap3A, %swap3A_364], %swap3A_367 {add = true, strides = array<i32>} : memref<80x128xf32, #tpu.memory_space<vmem>>, vector<1x16xf32>,
        %get3A_368 = arith.index_cast %scan3A_360 : i32 to index
        %get3A_369 = arith.constant 16 : index
        %get3A_370 = tpu.vector_load %arg17[%get3A_368, %get3A_369] {strides = array<i32>} : memref<80x128xf32, #tpu.memory_space<vmem>>, vector<1x16xf32>,
        %get3A_371 = vector.shape_cast %get3A_370 : vector<1x16xf32> to vector<16xf32>
        %swap3A_372 = arith.index_cast %scan3A_360 : i32 to index
        %swap3A_373 = arith.constant 16 : index
        %swap3A_374 = tpu.vector_load %arg12[%swap3A_372, %swap3A_373] {strides = array<i32>} : memref<80x128xf32, #tpu.memory_space<vmem>>, vector<1x16xf32>,
        %swap3A_375 = vector.shape_cast %swap3A_374 : vector<1x16xf32> to vector<16xf32>
        %swap3A_376 = vector.shape_cast %get3A_371 : vector<16xf32> to vector<1x16xf32>
        tpu.vector_store %arg12[%swap3A_372, %swap3A_373], %swap3A_376 {add = true, strides = array<i32>} : memref<80x128xf32, #tpu.memory_space<vmem>>, vector<1x16xf32>,
        %get3A_377 = arith.index_cast %scan3A_360 : i32 to index
        %get3A_378 = arith.constant 32 : index
        %get3A_379 = tpu.vector_load %arg17[%get3A_377, %get3A_378] {strides = array<i32>} : memref<80x128xf32, #tpu.memory_space<vmem>>, vector<1x16xf32>,
        %get3A_380 = vector.shape_cast %get3A_379 : vector<1x16xf32> to vector<16xf32>
        %swap3A_381 = arith.index_cast %scan3A_360 : i32 to index
        %swap3A_382 = arith.constant 32 : index
        %swap3A_383 = tpu.vector_load %arg12[%swap3A_381, %swap3A_382] {strides = array<i32>} : memref<80x128xf32, #tpu.memory_space<vmem>>, vector<1x16xf32>,
        %swap3A_384 = vector.shape_cast %swap3A_383 : vector<1x16xf32> to vector<16xf32>
        %swap3A_385 = vector.shape_cast %get3A_380 : vector<16xf32> to vector<1x16xf32>
        tpu.vector_store %arg12[%swap3A_381, %swap3A_382], %swap3A_385 {add = true, strides = array<i32>} : memref<80x128xf32, #tpu.memory_space<vmem>>, vector<1x16xf32>,
        %get3A_386 = arith.index_cast %scan3A_360 : i32 to index
        %get3A_387 = arith.constant 48 : index
        %get3A_388 = tpu.vector_load %arg17[%get3A_386, %get3A_387] {strides = array<i32>} : memref<80x128xf32, #tpu.memory_space<vmem>>, vector<1x16xf32>,
        %get3A_389 = vector.shape_cast %get3A_388 : vector<1x16xf32> to vector<16xf32>
        %swap3A_390 = arith.index_cast %scan3A_360 : i32 to index
        %swap3A_391 = arith.constant 48 : index
        %swap3A_392 = tpu.vector_load %arg12[%swap3A_390, %swap3A_391] {strides = array<i32>} : memref<80x128xf32, #tpu.memory_space<vmem>>, vector<1x16xf32>,
        %swap3A_393 = vector.shape_cast %swap3A_392 : vector<1x16xf32> to vector<16xf32>
        %swap3A_394 = vector.shape_cast %get3A_389 : vector<16xf32> to vector<1x16xf32>
        tpu.vector_store %arg12[%swap3A_390, %swap3A_391], %swap3A_394 {add = true, strides = array<i32>} : memref<80x128xf32, #tpu.memory_space<vmem>>, vector<1x16xf32>,
        %get3A_395 = arith.index_cast %scan3A_360 : i32 to index
        %get3A_396 = arith.constant 64 : index
        %get3A_397 = tpu.vector_load %arg17[%get3A_395, %get3A_396] {strides = array<i32>} : memref<80x128xf32, #tpu.memory_space<vmem>>, vector<1x16xf32>,
        %get3A_398 = vector.shape_cast %get3A_397 : vector<1x16xf32> to vector<16xf32>
        %swap3A_399 = arith.index_cast %scan3A_360 : i32 to index
        %swap3A_400 = arith.constant 64 : index
        %swap3A_401 = tpu.vector_load %arg12[%swap3A_399, %swap3A_400] {strides = array<i32>} : memref<80x128xf32, #tpu.memory_space<vmem>>, vector<1x16xf32>,
        %swap3A_402 = vector.shape_cast %swap3A_401 : vector<1x16xf32> to vector<16xf32>
        %swap3A_403 = vector.shape_cast %get3A_398 : vector<16xf32> to vector<1x16xf32>
        tpu.vector_store %arg12[%swap3A_399, %swap3A_400], %swap3A_403 {add = true, strides = array<i32>} : memref<80x128xf32, #tpu.memory_space<vmem>>, vector<1x16xf32>,
        %get3A_404 = arith.index_cast %scan3A_360 : i32 to index
        %get3A_405 = arith.constant 80 : index
        %get3A_406 = tpu.vector_load %arg17[%get3A_404, %get3A_405] {strides = array<i32>} : memref<80x128xf32, #tpu.memory_space<vmem>>, vector<1x16xf32>,
        %get3A_407 = vector.shape_cast %get3A_406 : vector<1x16xf32> to vector<16xf32>
        %swap3A_408 = arith.index_cast %scan3A_360 : i32 to index
        %swap3A_409 = arith.constant 80 : index
        %swap3A_410 = tpu.vector_load %arg12[%swap3A_408, %swap3A_409] {strides = array<i32>} : memref<80x128xf32, #tpu.memory_space<vmem>>, vector<1x16xf32>,
        %swap3A_411 = vector.shape_cast %swap3A_410 : vector<1x16xf32> to vector<16xf32>
        %swap3A_412 = vector.shape_cast %get3A_407 : vector<16xf32> to vector<1x16xf32>
        tpu.vector_store %arg12[%swap3A_408, %swap3A_409], %swap3A_412 {add = true, strides = array<i32>} : memref<80x128xf32, #tpu.memory_space<vmem>>, vector<1x16xf32>,
        %get3A_413 = arith.index_cast %scan3A_360 : i32 to index
        %get3A_414 = arith.constant 96 : index
        %get3A_415 = tpu.vector_load %arg17[%get3A_413, %get3A_414] {strides = array<i32>} : memref<80x128xf32, #tpu.memory_space<vmem>>, vector<1x16xf32>,
        %get3A_416 = vector.shape_cast %get3A_415 : vector<1x16xf32> to vector<16xf32>
        %swap3A_417 = arith.index_cast %scan3A_360 : i32 to index
        %swap3A_418 = arith.constant 96 : index
        %swap3A_419 = tpu.vector_load %arg12[%swap3A_417, %swap3A_418] {strides = array<i32>} : memref<80x128xf32, #tpu.memory_space<vmem>>, vector<1x16xf32>,
        %swap3A_420 = vector.shape_cast %swap3A_419 : vector<1x16xf32> to vector<16xf32>
        %swap3A_421 = vector.shape_cast %get3A_416 : vector<16xf32> to vector<1x16xf32>
        tpu.vector_store %arg12[%swap3A_417, %swap3A_418], %swap3A_421 {add = true, strides = array<i32>} : memref<80x128xf32, #tpu.memory_space<vmem>>, vector<1x16xf32>,
        %get3A_422 = arith.index_cast %scan3A_360 : i32 to index
        %get3A_423 = arith.constant 112 : index
        %get3A_424 = tpu.vector_load %arg17[%get3A_422, %get3A_423] {strides = array<i32>} : memref<80x128xf32, #tpu.memory_space<vmem>>, vector<1x16xf32>,
        %get3A_425 = vector.shape_cast %get3A_424 : vector<1x16xf32> to vector<16xf32>
        %swap3A_426 = arith.index_cast %scan3A_360 : i32 to index
        %swap3A_427 = arith.constant 112 : index
        %swap3A_428 = tpu.vector_load %arg12[%swap3A_426, %swap3A_427] {strides = array<i32>} : memref<80x128xf32, #tpu.memory_space<vmem>>, vector<1x16xf32>,
        %swap3A_429 = vector.shape_cast %swap3A_428 : vector<1x16xf32> to vector<16xf32>
        %swap3A_430 = vector.shape_cast %get3A_425 : vector<16xf32> to vector<1x16xf32>
        tpu.vector_store %arg12[%swap3A_426, %swap3A_427], %swap3A_430 {add = true, strides = array<i32>} : memref<80x128xf32, #tpu.memory_space<vmem>>, vector<1x16xf32>,
      }
      %scan3A_309 = arith.constant 80 : i32
      %add3A_310 = arith.addi %mul3A_2, %add3A_291 : i32
      %mul3A_311 = arith.constant 80 : i32
      %mul3A_312 = arith.muli %add3A_310, %mul3A_311 : i32
      %dma_start3A_313 = arith.constant 0 : i32
      %dma_start3A_314 = tpu.memref_slice %arg6[%mul3A_312, %dma_start3A_313] : memref<819200x128xf32, #tpu.memory_space<hbm>> -> memref<80x128xf32, #tpu.memory_space<hbm>>
      %dma_start3A_315 = arith.constant 0 : i32
      %dma_start3A_316 = tpu.memref_slice %arg6[%mul3A_312, %dma_start3A_315] : memref<819200x128xf32, #tpu.memory_space<hbm>> -> memref<80x128xf32, #tpu.memory_space<hbm>>
      tpu.enqueue_dma source(%arg12 : memref<80x128xf32, #tpu.memory_space<vmem>>) target(%dma_start3A_316 : memref<80x128xf32, #tpu.memory_space<hbm>>) target_semaphore(%arg32 : memref<!tpu.dma_semaphore, #tpu.memory_space<semaphore_mem>>)
      %add3A_317 = arith.constant 3 : i32
      %add3A_318 = arith.addi %add3A_291, %add3A_317 : i32
      %lt3A_319 = arith.constant 320 : i32
      %lt3A_320 = arith.cmpi slt, %add3A_318, %lt3A_319 : i32
      %convert_element_type3A_321 = arith.extui %lt3A_320 : i1 to i32
      %cond3A_322 = arith.constant 0 : i32
      %cond3A_323 = arith.cmpi ne, %convert_element_type3A_321, %cond3A_322 : i32
      scf.if %cond3A_323 {
        %dma_wait3A_360 = arith.constant 0 : i32
        %dma_wait3A_361 = arith.constant 0 : i32
        %dma_wait3A_362 = tpu.memref_slice %arg4[%dma_wait3A_360, %dma_wait3A_361] : memref<100000x128xf32, #tpu.memory_space<hbm>> -> memref<80x128xf32, #tpu.memory_space<hbm>>
        %dma_wait3A_363 = arith.constant 0 : i32
        %dma_wait3A_364 = arith.constant 0 : i32
        %dma_wait3A_365 = tpu.memref_slice %arg4[%dma_wait3A_363, %dma_wait3A_364] : memref<100000x128xf32, #tpu.memory_space<hbm>> -> memref<80x128xf32, #tpu.memory_space<hbm>>
        tpu.wait_dma2 semaphore(%arg30 : memref<!tpu.dma_semaphore, #tpu.memory_space<semaphore_mem>>) src(%dma_wait3A_365 : memref<80x128xf32, #tpu.memory_space<hbm>>) dst(%arg10 : memref<80x128xf32, #tpu.memory_space<vmem>>)
        %rem3A_366 = arith.constant 32 : i32
        %rem3A_367 = arith.remsi %add3A_318, %rem3A_366 : i32
        %eq3A = arith.constant 0 : i32
        %eq3A_368 = arith.cmpi eq, %rem3A_367, %eq3A : i32
        %convert_element_type3A_369 = arith.extui %eq3A_368 : i1 to i32
        %cond3A_370 = arith.constant 0 : i32
        %cond3A_371 = arith.cmpi ne, %convert_element_type3A_369, %cond3A_370 : i32
        scf.if %cond3A_371 {
          %dma_wait3A_390 = arith.constant 0 : i32
          %dma_wait3A_391 = arith.constant 0 : i32
          %dma_wait3A_392 = arith.constant 0 : i32
          %dma_wait3A_393 = tpu.memref_slice %arg7[%dma_wait3A_390, %dma_wait3A_391, %dma_wait3A_392] : memref<3x32x80xi32, #tpu.memory_space<vmem>> -> memref<1x32x80xi32, #tpu.memory_space<vmem>>
          %dma_wait3A_394 = tpu.memref_squeeze %dma_wait3A_393 : memref<1x32x80xi32, #tpu.memory_space<vmem>> -> memref<32x80xi32, #tpu.memory_space<vmem>>
          %dma_wait3A_395 = arith.constant 0 : i32
          %dma_wait3A_396 = arith.constant 0 : i32
          %dma_wait3A_397 = tpu.memref_slice %arg2[%dma_wait3A_395, %dma_wait3A_396] : memref<10240x80xi32, #tpu.memory_space<hbm>> -> memref<32x80xi32, #tpu.memory_space<hbm>>
          %dma_wait3A_398 = arith.constant 0 : i32
          %dma_wait3A_399 = arith.constant 0 : i32
          %dma_wait3A_400 = tpu.memref_slice %arg7[%dma_wait3A_390, %dma_wait3A_398, %dma_wait3A_399] : memref<3x32x80xi32, #tpu.memory_space<vmem>> -> memref<1x32x80xi32, #tpu.memory_space<vmem>>
          %dma_wait3A_401 = tpu.memref_squeeze %dma_wait3A_400 : memref<1x32x80xi32, #tpu.memory_space<vmem>> -> memref<32x80xi32, #tpu.memory_space<vmem>>
          %dma_wait3A_402 = arith.constant 0 : i32
          %dma_wait3A_403 = arith.constant 0 : i32
          %dma_wait3A_404 = tpu.memref_slice %arg2[%dma_wait3A_402, %dma_wait3A_403] : memref<10240x80xi32, #tpu.memory_space<hbm>> -> memref<32x80xi32, #tpu.memory_space<hbm>>
          tpu.wait_dma2 semaphore(%arg34 : memref<!tpu.dma_semaphore, #tpu.memory_space<semaphore_mem>>) src(%dma_wait3A_404 : memref<32x80xi32, #tpu.memory_space<hbm>>) dst(%dma_wait3A_401 : memref<32x80xi32, #tpu.memory_space<vmem>>)
          %dma_wait3A_405 = arith.constant 0 : i32
          %dma_wait3A_406 = arith.constant 0 : i32
          %dma_wait3A_407 = arith.constant 0 : i32
          %dma_wait3A_408 = tpu.memref_slice %arg8[%dma_wait3A_405, %dma_wait3A_406, %dma_wait3A_407] : memref<3x32x80xi32, #tpu.memory_space<vmem>> -> memref<1x32x80xi32, #tpu.memory_space<vmem>>
          %dma_wait3A_409 = tpu.memref_squeeze %dma_wait3A_408 : memref<1x32x80xi32, #tpu.memory_space<vmem>> -> memref<32x80xi32, #tpu.memory_space<vmem>>
          %dma_wait3A_410 = arith.constant 0 : i32
          %dma_wait3A_411 = arith.constant 0 : i32
          %dma_wait3A_412 = tpu.memref_slice %arg3[%dma_wait3A_410, %dma_wait3A_411] : memref<10240x80xi32, #tpu.memory_space<hbm>> -> memref<32x80xi32, #tpu.memory_space<hbm>>
          %dma_wait3A_413 = arith.constant 0 : i32
          %dma_wait3A_414 = arith.constant 0 : i32
          %dma_wait3A_415 = tpu.memref_slice %arg8[%dma_wait3A_405, %dma_wait3A_413, %dma_wait3A_414] : memref<3x32x80xi32, #tpu.memory_space<vmem>> -> memref<1x32x80xi32, #tpu.memory_space<vmem>>
          %dma_wait3A_416 = tpu.memref_squeeze %dma_wait3A_415 : memref<1x32x80xi32, #tpu.memory_space<vmem>> -> memref<32x80xi32, #tpu.memory_space<vmem>>
          %dma_wait3A_417 = arith.constant 0 : i32
          %dma_wait3A_418 = arith.constant 0 : i32
          %dma_wait3A_419 = tpu.memref_slice %arg3[%dma_wait3A_417, %dma_wait3A_418] : memref<10240x80xi32, #tpu.memory_space<hbm>> -> memref<32x80xi32, #tpu.memory_space<hbm>>
          tpu.wait_dma2 semaphore(%arg35 : memref<!tpu.dma_semaphore, #tpu.memory_space<semaphore_mem>>) src(%dma_wait3A_419 : memref<32x80xi32, #tpu.memory_space<hbm>>) dst(%dma_wait3A_416 : memref<32x80xi32, #tpu.memory_space<vmem>>)
          %div3A_420 = arith.constant 32 : i32
          %div3A_421 = arith.divsi %add3A_318, %div3A_420 : i32
          %add3A_422 = arith.constant 1 : i32
          %add3A_423 = arith.addi %div3A_421, %add3A_422 : i32
          %lt3A_424 = arith.constant 10 : i32
          %lt3A_425 = arith.cmpi slt, %add3A_423, %lt3A_424 : i32
          %convert_element_type3A_426 = arith.extui %lt3A_425 : i1 to i32
          %cond3A_427 = arith.constant 0 : i32
          %cond3A_428 = arith.cmpi ne, %convert_element_type3A_426, %cond3A_427 : i32
          scf.if %cond3A_428 {
            %div3A_429 = arith.constant 32 : i32
            %div3A_430 = arith.divsi %add3A_318, %div3A_429 : i32
            %add3A_431 = arith.constant 1 : i32
            %add3A_432 = arith.addi %div3A_430, %add3A_431 : i32
            %rem3A_433 = arith.constant 3 : i32
            %rem3A_434 = arith.remsi %add3A_432, %rem3A_433 : i32
            %mul3A_435 = arith.constant 32 : i32
            %mul3A_436 = arith.muli %add3A_432, %mul3A_435 : i32
            %add3A_437 = arith.addi %mul3A_2, %mul3A_436 : i32
            %dma_start3A_438 = arith.constant 0 : i32
            %dma_start3A_439 = arith.constant 0 : i32
            %dma_start3A_440 = tpu.memref_slice %arg7[%rem3A_434, %dma_start3A_438, %dma_start3A_439] : memref<3x32x80xi32, #tpu.memory_space<vmem>> -> memref<1x32x80xi32, #tpu.memory_space<vmem>>
            %dma_start3A_441 = tpu.memref_squeeze %dma_start3A_440 : memref<1x32x80xi32, #tpu.memory_space<vmem>> -> memref<32x80xi32, #tpu.memory_space<vmem>>
            %dma_start3A_442 = arith.constant 0 : i32
            %dma_start3A_443 = tpu.memref_slice %arg2[%add3A_437, %dma_start3A_442] : memref<10240x80xi32, #tpu.memory_space<hbm>> -> memref<32x80xi32, #tpu.memory_space<hbm>>
            %dma_start3A_444 = arith.constant 0 : i32
            %dma_start3A_445 = arith.constant 0 : i32
            %dma_start3A_446 = tpu.memref_slice %arg7[%rem3A_434, %dma_start3A_444, %dma_start3A_445] : memref<3x32x80xi32, #tpu.memory_space<vmem>> -> memref<1x32x80xi32, #tpu.memory_space<vmem>>
            %dma_start3A_447 = tpu.memref_squeeze %dma_start3A_446 : memref<1x32x80xi32, #tpu.memory_space<vmem>> -> memref<32x80xi32, #tpu.memory_space<vmem>>
            %dma_start3A_448 = arith.constant 0 : i32
            %dma_start3A_449 = tpu.memref_slice %arg2[%add3A_437, %dma_start3A_448] : memref<10240x80xi32, #tpu.memory_space<hbm>> -> memref<32x80xi32, #tpu.memory_space<hbm>>
            tpu.enqueue_dma source(%dma_start3A_449 : memref<32x80xi32, #tpu.memory_space<hbm>>) target(%dma_start3A_447 : memref<32x80xi32, #tpu.memory_space<vmem>>) target_semaphore(%arg34 : memref<!tpu.dma_semaphore, #tpu.memory_space<semaphore_mem>>)
            %dma_start3A_450 = arith.constant 0 : i32
            %dma_start3A_451 = arith.constant 0 : i32
            %dma_start3A_452 = tpu.memref_slice %arg8[%rem3A_434, %dma_start3A_450, %dma_start3A_451] : memref<3x32x80xi32, #tpu.memory_space<vmem>> -> memref<1x32x80xi32, #tpu.memory_space<vmem>>
            %dma_start3A_453 = tpu.memref_squeeze %dma_start3A_452 : memref<1x32x80xi32, #tpu.memory_space<vmem>> -> memref<32x80xi32, #tpu.memory_space<vmem>>
            %dma_start3A_454 = arith.constant 0 : i32
            %dma_start3A_455 = tpu.memref_slice %arg3[%add3A_437, %dma_start3A_454] : memref<10240x80xi32, #tpu.memory_space<hbm>> -> memref<32x80xi32, #tpu.memory_space<hbm>>
            %dma_start3A_456 = arith.constant 0 : i32
            %dma_start3A_457 = arith.constant 0 : i32
            %dma_start3A_458 = tpu.memref_slice %arg8[%rem3A_434, %dma_start3A_456, %dma_start3A_457] : memref<3x32x80xi32, #tpu.memory_space<vmem>> -> memref<1x32x80xi32, #tpu.memory_space<vmem>>
            %dma_start3A_459 = tpu.memref_squeeze %dma_start3A_458 : memref<1x32x80xi32, #tpu.memory_space<vmem>> -> memref<32x80xi32, #tpu.memory_space<vmem>>
            %dma_start3A_460 = arith.constant 0 : i32
            %dma_start3A_461 = tpu.memref_slice %arg3[%add3A_437, %dma_start3A_460] : memref<10240x80xi32, #tpu.memory_space<hbm>> -> memref<32x80xi32, #tpu.memory_space<hbm>>
            tpu.enqueue_dma source(%dma_start3A_461 : memref<32x80xi32, #tpu.memory_space<hbm>>) target(%dma_start3A_459 : memref<32x80xi32, #tpu.memory_space<vmem>>) target_semaphore(%arg35 : memref<!tpu.dma_semaphore, #tpu.memory_space<semaphore_mem>>)
          } else {
          }
        } else {
        }
        %div3A_372 = arith.constant 32 : i32
        %div3A_373 = arith.divsi %add3A_318, %div3A_372 : i32
        %rem3A_374 = arith.constant 3 : i32
        %rem3A_375 = arith.remsi %div3A_373, %rem3A_374 : i32
        %rem3A_376 = arith.constant 32 : i32
        %rem3A_377 = arith.remsi %add3A_318, %rem3A_376 : i32
        %dma_start3A_378 = arith.constant 0 : i32
        %dma_start3A_379 = tpu.memref_slice %arg7[%rem3A_375, %rem3A_377, %dma_start3A_378] : memref<3x32x80xi32, #tpu.memory_space<vmem>> -> memref<1x1x80xi32, #tpu.memory_space<vmem>>
        %dma_start3A_380 = tpu.memref_squeeze %dma_start3A_379 : memref<1x1x80xi32, #tpu.memory_space<vmem>> -> memref<80xi32, #tpu.memory_space<vmem>>
        %dma_start3A_381 = arith.constant 0 : i32
        %dma_start3A_382 = arith.constant 0 : i32
        %dma_start3A_383 = tpu.memref_slice %arg4[%dma_start3A_381, %dma_start3A_382] : memref<100000x128xf32, #tpu.memory_space<hbm>> -> memref<100000x128xf32, #tpu.memory_space<hbm>>
        tpu.enqueue_indirect_dma source(%dma_start3A_383 : memref<100000x128xf32, #tpu.memory_space<hbm>>) target(%arg10 : memref<80x128xf32, #tpu.memory_space<vmem>>) offsets(%dma_start3A_380 : memref<80xi32, #tpu.memory_space<vmem>>) semaphore(%arg20 : memref<!tpu.dma_semaphore, #tpu.memory_space<semaphore_mem>>)
        %dma_start3A_384 = arith.constant 0 : i32
        %dma_start3A_385 = tpu.memref_slice %arg8[%rem3A_375, %rem3A_377, %dma_start3A_384] : memref<3x32x80xi32, #tpu.memory_space<vmem>> -> memref<1x1x80xi32, #tpu.memory_space<vmem>>
        %dma_start3A_386 = tpu.memref_squeeze %dma_start3A_385 : memref<1x1x80xi32, #tpu.memory_space<vmem>> -> memref<80xi32, #tpu.memory_space<vmem>>
        %dma_start3A_387 = arith.constant 0 : i32
        %dma_start3A_388 = arith.constant 0 : i32
        %dma_start3A_389 = tpu.memref_slice %arg5[%dma_start3A_387, %dma_start3A_388] : memref<100000x128xf32, #tpu.memory_space<hbm>> -> memref<100000x128xf32, #tpu.memory_space<hbm>>
        tpu.enqueue_indirect_dma source(%dma_start3A_389 : memref<100000x128xf32, #tpu.memory_space<hbm>>) target(%arg15 : memref<80x128xf32, #tpu.memory_space<vmem>>) offsets(%dma_start3A_386 : memref<80xi32, #tpu.memory_space<vmem>>) semaphore(%arg25 : memref<!tpu.dma_semaphore, #tpu.memory_space<semaphore_mem>>)
      } else {
      }
      %mul3A_324 = arith.constant 5 : i32
      %mul3A_325 = arith.muli %mul3A_324, %scan3A_182 : i32
      %add3A_326 = arith.constant 4 : i32
      %add3A_327 = arith.addi %mul3A_325, %add3A_326 : i32
      %dma_wait3A_328 = arith.constant 0 : i32
      %dma_wait3A_329 = arith.constant 0 : i32
      %dma_wait3A_330 = tpu.memref_slice %arg4[%dma_wait3A_328, %dma_wait3A_329] : memref<100000x128xf32, #tpu.memory_space<hbm>> -> memref<80x128xf32, #tpu.memory_space<hbm>>
      %dma_wait3A_331 = arith.constant 0 : i32
      %dma_wait3A_332 = arith.constant 0 : i32
      %dma_wait3A_333 = tpu.memref_slice %arg4[%dma_wait3A_331, %dma_wait3A_332] : memref<100000x128xf32, #tpu.memory_space<hbm>> -> memref<80x128xf32, #tpu.memory_space<hbm>>
      tpu.wait_dma2 semaphore(%arg23 : memref<!tpu.dma_semaphore, #tpu.memory_space<semaphore_mem>>) src(%dma_wait3A_333 : memref<80x128xf32, #tpu.memory_space<hbm>>) dst(%arg13 : memref<80x128xf32, #tpu.memory_space<vmem>>)
      %dma_wait3A_334 = arith.constant 0 : i32
      %dma_wait3A_335 = arith.constant 0 : i32
      %dma_wait3A_336 = tpu.memref_slice %arg4[%dma_wait3A_334, %dma_wait3A_335] : memref<100000x128xf32, #tpu.memory_space<hbm>> -> memref<80x128xf32, #tpu.memory_space<hbm>>
      %dma_wait3A_337 = arith.constant 0 : i32
      %dma_wait3A_338 = arith.constant 0 : i32
      %dma_wait3A_339 = tpu.memref_slice %arg4[%dma_wait3A_337, %dma_wait3A_338] : memref<100000x128xf32, #tpu.memory_space<hbm>> -> memref<80x128xf32, #tpu.memory_space<hbm>>
      tpu.wait_dma2 semaphore(%arg28 : memref<!tpu.dma_semaphore, #tpu.memory_space<semaphore_mem>>) src(%dma_wait3A_339 : memref<80x128xf32, #tpu.memory_space<hbm>>) dst(%arg18 : memref<80x128xf32, #tpu.memory_space<vmem>>)
      %scan3A_340 = arith.constant 0 : i32
      %scan3A_341 = arith.constant 0 : i32
      %scan3A_342 = arith.constant 80 : i32
      %scan3A_343 = arith.addi %scan3A_341, %scan3A_342 : i32
      %scan3A_344 = arith.constant 1 : i32
      scf.for %scan3A_360 = %scan3A_341 to %scan3A_343 step %scan3A_344  : i32 {
        %get3A = arith.index_cast %scan3A_360 : i32 to index
        %get3A_361 = arith.constant 0 : index
        %get3A_362 = tpu.vector_load %arg18[%get3A, %get3A_361] {strides = array<i32>} : memref<80x128xf32, #tpu.memory_space<vmem>>, vector<1x16xf32>,
        %get3A_363 = vector.shape_cast %get3A_362 : vector<1x16xf32> to vector<16xf32>
        %swap3A = arith.index_cast %scan3A_360 : i32 to index
        %swap3A_364 = arith.constant 0 : index
        %swap3A_365 = tpu.vector_load %arg13[%swap3A, %swap3A_364] {strides = array<i32>} : memref<80x128xf32, #tpu.memory_space<vmem>>, vector<1x16xf32>,
        %swap3A_366 = vector.shape_cast %swap3A_365 : vector<1x16xf32> to vector<16xf32>
        %swap3A_367 = vector.shape_cast %get3A_363 : vector<16xf32> to vector<1x16xf32>
        tpu.vector_store %arg13[%swap3A, %swap3A_364], %swap3A_367 {add = true, strides = array<i32>} : memref<80x128xf32, #tpu.memory_space<vmem>>, vector<1x16xf32>,
        %get3A_368 = arith.index_cast %scan3A_360 : i32 to index
        %get3A_369 = arith.constant 16 : index
        %get3A_370 = tpu.vector_load %arg18[%get3A_368, %get3A_369] {strides = array<i32>} : memref<80x128xf32, #tpu.memory_space<vmem>>, vector<1x16xf32>,
        %get3A_371 = vector.shape_cast %get3A_370 : vector<1x16xf32> to vector<16xf32>
        %swap3A_372 = arith.index_cast %scan3A_360 : i32 to index
        %swap3A_373 = arith.constant 16 : index
        %swap3A_374 = tpu.vector_load %arg13[%swap3A_372, %swap3A_373] {strides = array<i32>} : memref<80x128xf32, #tpu.memory_space<vmem>>, vector<1x16xf32>,
        %swap3A_375 = vector.shape_cast %swap3A_374 : vector<1x16xf32> to vector<16xf32>
        %swap3A_376 = vector.shape_cast %get3A_371 : vector<16xf32> to vector<1x16xf32>
        tpu.vector_store %arg13[%swap3A_372, %swap3A_373], %swap3A_376 {add = true, strides = array<i32>} : memref<80x128xf32, #tpu.memory_space<vmem>>, vector<1x16xf32>,
        %get3A_377 = arith.index_cast %scan3A_360 : i32 to index
        %get3A_378 = arith.constant 32 : index
        %get3A_379 = tpu.vector_load %arg18[%get3A_377, %get3A_378] {strides = array<i32>} : memref<80x128xf32, #tpu.memory_space<vmem>>, vector<1x16xf32>,
        %get3A_380 = vector.shape_cast %get3A_379 : vector<1x16xf32> to vector<16xf32>
        %swap3A_381 = arith.index_cast %scan3A_360 : i32 to index
        %swap3A_382 = arith.constant 32 : index
        %swap3A_383 = tpu.vector_load %arg13[%swap3A_381, %swap3A_382] {strides = array<i32>} : memref<80x128xf32, #tpu.memory_space<vmem>>, vector<1x16xf32>,
        %swap3A_384 = vector.shape_cast %swap3A_383 : vector<1x16xf32> to vector<16xf32>
        %swap3A_385 = vector.shape_cast %get3A_380 : vector<16xf32> to vector<1x16xf32>
        tpu.vector_store %arg13[%swap3A_381, %swap3A_382], %swap3A_385 {add = true, strides = array<i32>} : memref<80x128xf32, #tpu.memory_space<vmem>>, vector<1x16xf32>,
        %get3A_386 = arith.index_cast %scan3A_360 : i32 to index
        %get3A_387 = arith.constant 48 : index
        %get3A_388 = tpu.vector_load %arg18[%get3A_386, %get3A_387] {strides = array<i32>} : memref<80x128xf32, #tpu.memory_space<vmem>>, vector<1x16xf32>,
        %get3A_389 = vector.shape_cast %get3A_388 : vector<1x16xf32> to vector<16xf32>
        %swap3A_390 = arith.index_cast %scan3A_360 : i32 to index
        %swap3A_391 = arith.constant 48 : index
        %swap3A_392 = tpu.vector_load %arg13[%swap3A_390, %swap3A_391] {strides = array<i32>} : memref<80x128xf32, #tpu.memory_space<vmem>>, vector<1x16xf32>,
        %swap3A_393 = vector.shape_cast %swap3A_392 : vector<1x16xf32> to vector<16xf32>
        %swap3A_394 = vector.shape_cast %get3A_389 : vector<16xf32> to vector<1x16xf32>
        tpu.vector_store %arg13[%swap3A_390, %swap3A_391], %swap3A_394 {add = true, strides = array<i32>} : memref<80x128xf32, #tpu.memory_space<vmem>>, vector<1x16xf32>,
        %get3A_395 = arith.index_cast %scan3A_360 : i32 to index
        %get3A_396 = arith.constant 64 : index
        %get3A_397 = tpu.vector_load %arg18[%get3A_395, %get3A_396] {strides = array<i32>} : memref<80x128xf32, #tpu.memory_space<vmem>>, vector<1x16xf32>,
        %get3A_398 = vector.shape_cast %get3A_397 : vector<1x16xf32> to vector<16xf32>
        %swap3A_399 = arith.index_cast %scan3A_360 : i32 to index
        %swap3A_400 = arith.constant 64 : index
        %swap3A_401 = tpu.vector_load %arg13[%swap3A_399, %swap3A_400] {strides = array<i32>} : memref<80x128xf32, #tpu.memory_space<vmem>>, vector<1x16xf32>,
        %swap3A_402 = vector.shape_cast %swap3A_401 : vector<1x16xf32> to vector<16xf32>
        %swap3A_403 = vector.shape_cast %get3A_398 : vector<16xf32> to vector<1x16xf32>
        tpu.vector_store %arg13[%swap3A_399, %swap3A_400], %swap3A_403 {add = true, strides = array<i32>} : memref<80x128xf32, #tpu.memory_space<vmem>>, vector<1x16xf32>,
        %get3A_404 = arith.index_cast %scan3A_360 : i32 to index
        %get3A_405 = arith.constant 80 : index
        %get3A_406 = tpu.vector_load %arg18[%get3A_404, %get3A_405] {strides = array<i32>} : memref<80x128xf32, #tpu.memory_space<vmem>>, vector<1x16xf32>,
        %get3A_407 = vector.shape_cast %get3A_406 : vector<1x16xf32> to vector<16xf32>
        %swap3A_408 = arith.index_cast %scan3A_360 : i32 to index
        %swap3A_409 = arith.constant 80 : index
        %swap3A_410 = tpu.vector_load %arg13[%swap3A_408, %swap3A_409] {strides = array<i32>} : memref<80x128xf32, #tpu.memory_space<vmem>>, vector<1x16xf32>,
        %swap3A_411 = vector.shape_cast %swap3A_410 : vector<1x16xf32> to vector<16xf32>
        %swap3A_412 = vector.shape_cast %get3A_407 : vector<16xf32> to vector<1x16xf32>
        tpu.vector_store %arg13[%swap3A_408, %swap3A_409], %swap3A_412 {add = true, strides = array<i32>} : memref<80x128xf32, #tpu.memory_space<vmem>>, vector<1x16xf32>,
        %get3A_413 = arith.index_cast %scan3A_360 : i32 to index
        %get3A_414 = arith.constant 96 : index
        %get3A_415 = tpu.vector_load %arg18[%get3A_413, %get3A_414] {strides = array<i32>} : memref<80x128xf32, #tpu.memory_space<vmem>>, vector<1x16xf32>,
        %get3A_416 = vector.shape_cast %get3A_415 : vector<1x16xf32> to vector<16xf32>
        %swap3A_417 = arith.index_cast %scan3A_360 : i32 to index
        %swap3A_418 = arith.constant 96 : index
        %swap3A_419 = tpu.vector_load %arg13[%swap3A_417, %swap3A_418] {strides = array<i32>} : memref<80x128xf32, #tpu.memory_space<vmem>>, vector<1x16xf32>,
        %swap3A_420 = vector.shape_cast %swap3A_419 : vector<1x16xf32> to vector<16xf32>
        %swap3A_421 = vector.shape_cast %get3A_416 : vector<16xf32> to vector<1x16xf32>
        tpu.vector_store %arg13[%swap3A_417, %swap3A_418], %swap3A_421 {add = true, strides = array<i32>} : memref<80x128xf32, #tpu.memory_space<vmem>>, vector<1x16xf32>,
        %get3A_422 = arith.index_cast %scan3A_360 : i32 to index
        %get3A_423 = arith.constant 112 : index
        %get3A_424 = tpu.vector_load %arg18[%get3A_422, %get3A_423] {strides = array<i32>} : memref<80x128xf32, #tpu.memory_space<vmem>>, vector<1x16xf32>,
        %get3A_425 = vector.shape_cast %get3A_424 : vector<1x16xf32> to vector<16xf32>
        %swap3A_426 = arith.index_cast %scan3A_360 : i32 to index
        %swap3A_427 = arith.constant 112 : index
        %swap3A_428 = tpu.vector_load %arg13[%swap3A_426, %swap3A_427] {strides = array<i32>} : memref<80x128xf32, #tpu.memory_space<vmem>>, vector<1x16xf32>,
        %swap3A_429 = vector.shape_cast %swap3A_428 : vector<1x16xf32> to vector<16xf32>
        %swap3A_430 = vector.shape_cast %get3A_425 : vector<16xf32> to vector<1x16xf32>
        tpu.vector_store %arg13[%swap3A_426, %swap3A_427], %swap3A_430 {add = true, strides = array<i32>} : memref<80x128xf32, #tpu.memory_space<vmem>>, vector<1x16xf32>,
      }
      %scan3A_345 = arith.constant 80 : i32
      %add3A_346 = arith.addi %mul3A_2, %add3A_327 : i32
      %mul3A_347 = arith.constant 80 : i32
      %mul3A_348 = arith.muli %add3A_346, %mul3A_347 : i32
      %dma_start3A_349 = arith.constant 0 : i32
      %dma_start3A_350 = tpu.memref_slice %arg6[%mul3A_348, %dma_start3A_349] : memref<819200x128xf32, #tpu.memory_space<hbm>> -> memref<80x128xf32, #tpu.memory_space<hbm>>
      %dma_start3A_351 = arith.constant 0 : i32
      %dma_start3A_352 = tpu.memref_slice %arg6[%mul3A_348, %dma_start3A_351] : memref<819200x128xf32, #tpu.memory_space<hbm>> -> memref<80x128xf32, #tpu.memory_space<hbm>>
      tpu.enqueue_dma source(%arg13 : memref<80x128xf32, #tpu.memory_space<vmem>>) target(%dma_start3A_352 : memref<80x128xf32, #tpu.memory_space<hbm>>) target_semaphore(%arg33 : memref<!tpu.dma_semaphore, #tpu.memory_space<semaphore_mem>>)
      %add3A_353 = arith.constant 3 : i32
      %add3A_354 = arith.addi %add3A_327, %add3A_353 : i32
      %lt3A_355 = arith.constant 320 : i32
      %lt3A_356 = arith.cmpi slt, %add3A_354, %lt3A_355 : i32
      %convert_element_type3A_357 = arith.extui %lt3A_356 : i1 to i32
      %cond3A_358 = arith.constant 0 : i32
      %cond3A_359 = arith.cmpi ne, %convert_element_type3A_357, %cond3A_358 : i32
      scf.if %cond3A_359 {
        %dma_wait3A_360 = arith.constant 0 : i32
        %dma_wait3A_361 = arith.constant 0 : i32
        %dma_wait3A_362 = tpu.memref_slice %arg4[%dma_wait3A_360, %dma_wait3A_361] : memref<100000x128xf32, #tpu.memory_space<hbm>> -> memref<80x128xf32, #tpu.memory_space<hbm>>
        %dma_wait3A_363 = arith.constant 0 : i32
        %dma_wait3A_364 = arith.constant 0 : i32
        %dma_wait3A_365 = tpu.memref_slice %arg4[%dma_wait3A_363, %dma_wait3A_364] : memref<100000x128xf32, #tpu.memory_space<hbm>> -> memref<80x128xf32, #tpu.memory_space<hbm>>
        tpu.wait_dma2 semaphore(%arg31 : memref<!tpu.dma_semaphore, #tpu.memory_space<semaphore_mem>>) src(%dma_wait3A_365 : memref<80x128xf32, #tpu.memory_space<hbm>>) dst(%arg11 : memref<80x128xf32, #tpu.memory_space<vmem>>)
        %rem3A_366 = arith.constant 32 : i32
        %rem3A_367 = arith.remsi %add3A_354, %rem3A_366 : i32
        %eq3A = arith.constant 0 : i32
        %eq3A_368 = arith.cmpi eq, %rem3A_367, %eq3A : i32
        %convert_element_type3A_369 = arith.extui %eq3A_368 : i1 to i32
        %cond3A_370 = arith.constant 0 : i32
        %cond3A_371 = arith.cmpi ne, %convert_element_type3A_369, %cond3A_370 : i32
        scf.if %cond3A_371 {
          %dma_wait3A_390 = arith.constant 0 : i32
          %dma_wait3A_391 = arith.constant 0 : i32
          %dma_wait3A_392 = arith.constant 0 : i32
          %dma_wait3A_393 = tpu.memref_slice %arg7[%dma_wait3A_390, %dma_wait3A_391, %dma_wait3A_392] : memref<3x32x80xi32, #tpu.memory_space<vmem>> -> memref<1x32x80xi32, #tpu.memory_space<vmem>>
          %dma_wait3A_394 = tpu.memref_squeeze %dma_wait3A_393 : memref<1x32x80xi32, #tpu.memory_space<vmem>> -> memref<32x80xi32, #tpu.memory_space<vmem>>
          %dma_wait3A_395 = arith.constant 0 : i32
          %dma_wait3A_396 = arith.constant 0 : i32
          %dma_wait3A_397 = tpu.memref_slice %arg2[%dma_wait3A_395, %dma_wait3A_396] : memref<10240x80xi32, #tpu.memory_space<hbm>> -> memref<32x80xi32, #tpu.memory_space<hbm>>
          %dma_wait3A_398 = arith.constant 0 : i32
          %dma_wait3A_399 = arith.constant 0 : i32
          %dma_wait3A_400 = tpu.memref_slice %arg7[%dma_wait3A_390, %dma_wait3A_398, %dma_wait3A_399] : memref<3x32x80xi32, #tpu.memory_space<vmem>> -> memref<1x32x80xi32, #tpu.memory_space<vmem>>
          %dma_wait3A_401 = tpu.memref_squeeze %dma_wait3A_400 : memref<1x32x80xi32, #tpu.memory_space<vmem>> -> memref<32x80xi32, #tpu.memory_space<vmem>>
          %dma_wait3A_402 = arith.constant 0 : i32
          %dma_wait3A_403 = arith.constant 0 : i32
          %dma_wait3A_404 = tpu.memref_slice %arg2[%dma_wait3A_402, %dma_wait3A_403] : memref<10240x80xi32, #tpu.memory_space<hbm>> -> memref<32x80xi32, #tpu.memory_space<hbm>>
          tpu.wait_dma2 semaphore(%arg34 : memref<!tpu.dma_semaphore, #tpu.memory_space<semaphore_mem>>) src(%dma_wait3A_404 : memref<32x80xi32, #tpu.memory_space<hbm>>) dst(%dma_wait3A_401 : memref<32x80xi32, #tpu.memory_space<vmem>>)
          %dma_wait3A_405 = arith.constant 0 : i32
          %dma_wait3A_406 = arith.constant 0 : i32
          %dma_wait3A_407 = arith.constant 0 : i32
          %dma_wait3A_408 = tpu.memref_slice %arg8[%dma_wait3A_405, %dma_wait3A_406, %dma_wait3A_407] : memref<3x32x80xi32, #tpu.memory_space<vmem>> -> memref<1x32x80xi32, #tpu.memory_space<vmem>>
          %dma_wait3A_409 = tpu.memref_squeeze %dma_wait3A_408 : memref<1x32x80xi32, #tpu.memory_space<vmem>> -> memref<32x80xi32, #tpu.memory_space<vmem>>
          %dma_wait3A_410 = arith.constant 0 : i32
          %dma_wait3A_411 = arith.constant 0 : i32
          %dma_wait3A_412 = tpu.memref_slice %arg3[%dma_wait3A_410, %dma_wait3A_411] : memref<10240x80xi32, #tpu.memory_space<hbm>> -> memref<32x80xi32, #tpu.memory_space<hbm>>
          %dma_wait3A_413 = arith.constant 0 : i32
          %dma_wait3A_414 = arith.constant 0 : i32
          %dma_wait3A_415 = tpu.memref_slice %arg8[%dma_wait3A_405, %dma_wait3A_413, %dma_wait3A_414] : memref<3x32x80xi32, #tpu.memory_space<vmem>> -> memref<1x32x80xi32, #tpu.memory_space<vmem>>
          %dma_wait3A_416 = tpu.memref_squeeze %dma_wait3A_415 : memref<1x32x80xi32, #tpu.memory_space<vmem>> -> memref<32x80xi32, #tpu.memory_space<vmem>>
          %dma_wait3A_417 = arith.constant 0 : i32
          %dma_wait3A_418 = arith.constant 0 : i32
          %dma_wait3A_419 = tpu.memref_slice %arg3[%dma_wait3A_417, %dma_wait3A_418] : memref<10240x80xi32, #tpu.memory_space<hbm>> -> memref<32x80xi32, #tpu.memory_space<hbm>>
          tpu.wait_dma2 semaphore(%arg35 : memref<!tpu.dma_semaphore, #tpu.memory_space<semaphore_mem>>) src(%dma_wait3A_419 : memref<32x80xi32, #tpu.memory_space<hbm>>) dst(%dma_wait3A_416 : memref<32x80xi32, #tpu.memory_space<vmem>>)
          %div3A_420 = arith.constant 32 : i32
          %div3A_421 = arith.divsi %add3A_354, %div3A_420 : i32
          %add3A_422 = arith.constant 1 : i32
          %add3A_423 = arith.addi %div3A_421, %add3A_422 : i32
          %lt3A_424 = arith.constant 10 : i32
          %lt3A_425 = arith.cmpi slt, %add3A_423, %lt3A_424 : i32
          %convert_element_type3A_426 = arith.extui %lt3A_425 : i1 to i32
          %cond3A_427 = arith.constant 0 : i32
          %cond3A_428 = arith.cmpi ne, %convert_element_type3A_426, %cond3A_427 : i32
          scf.if %cond3A_428 {
            %div3A_429 = arith.constant 32 : i32
            %div3A_430 = arith.divsi %add3A_354, %div3A_429 : i32
            %add3A_431 = arith.constant 1 : i32
            %add3A_432 = arith.addi %div3A_430, %add3A_431 : i32
            %rem3A_433 = arith.constant 3 : i32
            %rem3A_434 = arith.remsi %add3A_432, %rem3A_433 : i32
            %mul3A_435 = arith.constant 32 : i32
            %mul3A_436 = arith.muli %add3A_432, %mul3A_435 : i32
            %add3A_437 = arith.addi %mul3A_2, %mul3A_436 : i32
            %dma_start3A_438 = arith.constant 0 : i32
            %dma_start3A_439 = arith.constant 0 : i32
            %dma_start3A_440 = tpu.memref_slice %arg7[%rem3A_434, %dma_start3A_438, %dma_start3A_439] : memref<3x32x80xi32, #tpu.memory_space<vmem>> -> memref<1x32x80xi32, #tpu.memory_space<vmem>>
            %dma_start3A_441 = tpu.memref_squeeze %dma_start3A_440 : memref<1x32x80xi32, #tpu.memory_space<vmem>> -> memref<32x80xi32, #tpu.memory_space<vmem>>
            %dma_start3A_442 = arith.constant 0 : i32
            %dma_start3A_443 = tpu.memref_slice %arg2[%add3A_437, %dma_start3A_442] : memref<10240x80xi32, #tpu.memory_space<hbm>> -> memref<32x80xi32, #tpu.memory_space<hbm>>
            %dma_start3A_444 = arith.constant 0 : i32
            %dma_start3A_445 = arith.constant 0 : i32
            %dma_start3A_446 = tpu.memref_slice %arg7[%rem3A_434, %dma_start3A_444, %dma_start3A_445] : memref<3x32x80xi32, #tpu.memory_space<vmem>> -> memref<1x32x80xi32, #tpu.memory_space<vmem>>
            %dma_start3A_447 = tpu.memref_squeeze %dma_start3A_446 : memref<1x32x80xi32, #tpu.memory_space<vmem>> -> memref<32x80xi32, #tpu.memory_space<vmem>>
            %dma_start3A_448 = arith.constant 0 : i32
            %dma_start3A_449 = tpu.memref_slice %arg2[%add3A_437, %dma_start3A_448] : memref<10240x80xi32, #tpu.memory_space<hbm>> -> memref<32x80xi32, #tpu.memory_space<hbm>>
            tpu.enqueue_dma source(%dma_start3A_449 : memref<32x80xi32, #tpu.memory_space<hbm>>) target(%dma_start3A_447 : memref<32x80xi32, #tpu.memory_space<vmem>>) target_semaphore(%arg34 : memref<!tpu.dma_semaphore, #tpu.memory_space<semaphore_mem>>)
            %dma_start3A_450 = arith.constant 0 : i32
            %dma_start3A_451 = arith.constant 0 : i32
            %dma_start3A_452 = tpu.memref_slice %arg8[%rem3A_434, %dma_start3A_450, %dma_start3A_451] : memref<3x32x80xi32, #tpu.memory_space<vmem>> -> memref<1x32x80xi32, #tpu.memory_space<vmem>>
            %dma_start3A_453 = tpu.memref_squeeze %dma_start3A_452 : memref<1x32x80xi32, #tpu.memory_space<vmem>> -> memref<32x80xi32, #tpu.memory_space<vmem>>
            %dma_start3A_454 = arith.constant 0 : i32
            %dma_start3A_455 = tpu.memref_slice %arg3[%add3A_437, %dma_start3A_454] : memref<10240x80xi32, #tpu.memory_space<hbm>> -> memref<32x80xi32, #tpu.memory_space<hbm>>
            %dma_start3A_456 = arith.constant 0 : i32
            %dma_start3A_457 = arith.constant 0 : i32
            %dma_start3A_458 = tpu.memref_slice %arg8[%rem3A_434, %dma_start3A_456, %dma_start3A_457] : memref<3x32x80xi32, #tpu.memory_space<vmem>> -> memref<1x32x80xi32, #tpu.memory_space<vmem>>
            %dma_start3A_459 = tpu.memref_squeeze %dma_start3A_458 : memref<1x32x80xi32, #tpu.memory_space<vmem>> -> memref<32x80xi32, #tpu.memory_space<vmem>>
            %dma_start3A_460 = arith.constant 0 : i32
            %dma_start3A_461 = tpu.memref_slice %arg3[%add3A_437, %dma_start3A_460] : memref<10240x80xi32, #tpu.memory_space<hbm>> -> memref<32x80xi32, #tpu.memory_space<hbm>>
            tpu.enqueue_dma source(%dma_start3A_461 : memref<32x80xi32, #tpu.memory_space<hbm>>) target(%dma_start3A_459 : memref<32x80xi32, #tpu.memory_space<vmem>>) target_semaphore(%arg35 : memref<!tpu.dma_semaphore, #tpu.memory_space<semaphore_mem>>)
          } else {
          }
        } else {
        }
        %div3A_372 = arith.constant 32 : i32
        %div3A_373 = arith.divsi %add3A_354, %div3A_372 : i32
        %rem3A_374 = arith.constant 3 : i32
        %rem3A_375 = arith.remsi %div3A_373, %rem3A_374 : i32
        %rem3A_376 = arith.constant 32 : i32
        %rem3A_377 = arith.remsi %add3A_354, %rem3A_376 : i32
        %dma_start3A_378 = arith.constant 0 : i32
        %dma_start3A_379 = tpu.memref_slice %arg7[%rem3A_375, %rem3A_377, %dma_start3A_378] : memref<3x32x80xi32, #tpu.memory_space<vmem>> -> memref<1x1x80xi32, #tpu.memory_space<vmem>>
        %dma_start3A_380 = tpu.memref_squeeze %dma_start3A_379 : memref<1x1x80xi32, #tpu.memory_space<vmem>> -> memref<80xi32, #tpu.memory_space<vmem>>
        %dma_start3A_381 = arith.constant 0 : i32
        %dma_start3A_382 = arith.constant 0 : i32
        %dma_start3A_383 = tpu.memref_slice %arg4[%dma_start3A_381, %dma_start3A_382] : memref<100000x128xf32, #tpu.memory_space<hbm>> -> memref<100000x128xf32, #tpu.memory_space<hbm>>
        tpu.enqueue_indirect_dma source(%dma_start3A_383 : memref<100000x128xf32, #tpu.memory_space<hbm>>) target(%arg11 : memref<80x128xf32, #tpu.memory_space<vmem>>) offsets(%dma_start3A_380 : memref<80xi32, #tpu.memory_space<vmem>>) semaphore(%arg21 : memref<!tpu.dma_semaphore, #tpu.memory_space<semaphore_mem>>)
        %dma_start3A_384 = arith.constant 0 : i32
        %dma_start3A_385 = tpu.memref_slice %arg8[%rem3A_375, %rem3A_377, %dma_start3A_384] : memref<3x32x80xi32, #tpu.memory_space<vmem>> -> memref<1x1x80xi32, #tpu.memory_space<vmem>>
        %dma_start3A_386 = tpu.memref_squeeze %dma_start3A_385 : memref<1x1x80xi32, #tpu.memory_space<vmem>> -> memref<80xi32, #tpu.memory_space<vmem>>
        %dma_start3A_387 = arith.constant 0 : i32
        %dma_start3A_388 = arith.constant 0 : i32
        %dma_start3A_389 = tpu.memref_slice %arg5[%dma_start3A_387, %dma_start3A_388] : memref<100000x128xf32, #tpu.memory_space<hbm>> -> memref<100000x128xf32, #tpu.memory_space<hbm>>
        tpu.enqueue_indirect_dma source(%dma_start3A_389 : memref<100000x128xf32, #tpu.memory_space<hbm>>) target(%arg16 : memref<80x128xf32, #tpu.memory_space<vmem>>) offsets(%dma_start3A_386 : memref<80xi32, #tpu.memory_space<vmem>>) semaphore(%arg26 : memref<!tpu.dma_semaphore, #tpu.memory_space<semaphore_mem>>)
      } else {
      }
    }
    %scan3A_151 = arith.constant 64 : i32
    %dma_wait3A_152 = arith.constant 0 : i32
    %dma_wait3A_153 = arith.constant 0 : i32
    %dma_wait3A_154 = tpu.memref_slice %arg4[%dma_wait3A_152, %dma_wait3A_153] : memref<100000x128xf32, #tpu.memory_space<hbm>> -> memref<80x128xf32, #tpu.memory_space<hbm>>
    %dma_wait3A_155 = arith.constant 0 : i32
    %dma_wait3A_156 = arith.constant 0 : i32
    %dma_wait3A_157 = tpu.memref_slice %arg4[%dma_wait3A_155, %dma_wait3A_156] : memref<100000x128xf32, #tpu.memory_space<hbm>> -> memref<80x128xf32, #tpu.memory_space<hbm>>
    tpu.wait_dma2 semaphore(%arg29 : memref<!tpu.dma_semaphore, #tpu.memory_space<semaphore_mem>>) src(%dma_wait3A_157 : memref<80x128xf32, #tpu.memory_space<hbm>>) dst(%arg9 : memref<80x128xf32, #tpu.memory_space<vmem>>)
    %dma_wait3A_158 = arith.constant 0 : i32
    %dma_wait3A_159 = arith.constant 0 : i32
    %dma_wait3A_160 = tpu.memref_slice %arg4[%dma_wait3A_158, %dma_wait3A_159] : memref<100000x128xf32, #tpu.memory_space<hbm>> -> memref<80x128xf32, #tpu.memory_space<hbm>>
    %dma_wait3A_161 = arith.constant 0 : i32
    %dma_wait3A_162 = arith.constant 0 : i32
    %dma_wait3A_163 = tpu.memref_slice %arg4[%dma_wait3A_161, %dma_wait3A_162] : memref<100000x128xf32, #tpu.memory_space<hbm>> -> memref<80x128xf32, #tpu.memory_space<hbm>>
    tpu.wait_dma2 semaphore(%arg30 : memref<!tpu.dma_semaphore, #tpu.memory_space<semaphore_mem>>) src(%dma_wait3A_163 : memref<80x128xf32, #tpu.memory_space<hbm>>) dst(%arg10 : memref<80x128xf32, #tpu.memory_space<vmem>>)
    %dma_wait3A_164 = arith.constant 0 : i32
    %dma_wait3A_165 = arith.constant 0 : i32
    %dma_wait3A_166 = tpu.memref_slice %arg4[%dma_wait3A_164, %dma_wait3A_165] : memref<100000x128xf32, #tpu.memory_space<hbm>> -> memref<80x128xf32, #tpu.memory_space<hbm>>
    %dma_wait3A_167 = arith.constant 0 : i32
    %dma_wait3A_168 = arith.constant 0 : i32
    %dma_wait3A_169 = tpu.memref_slice %arg4[%dma_wait3A_167, %dma_wait3A_168] : memref<100000x128xf32, #tpu.memory_space<hbm>> -> memref<80x128xf32, #tpu.memory_space<hbm>>
    tpu.wait_dma2 semaphore(%arg31 : memref<!tpu.dma_semaphore, #tpu.memory_space<semaphore_mem>>) src(%dma_wait3A_169 : memref<80x128xf32, #tpu.memory_space<hbm>>) dst(%arg11 : memref<80x128xf32, #tpu.memory_space<vmem>>)
    %dma_wait3A_170 = arith.constant 0 : i32
    %dma_wait3A_171 = arith.constant 0 : i32
    %dma_wait3A_172 = tpu.memref_slice %arg4[%dma_wait3A_170, %dma_wait3A_171] : memref<100000x128xf32, #tpu.memory_space<hbm>> -> memref<80x128xf32, #tpu.memory_space<hbm>>
    %dma_wait3A_173 = arith.constant 0 : i32
    %dma_wait3A_174 = arith.constant 0 : i32
    %dma_wait3A_175 = tpu.memref_slice %arg4[%dma_wait3A_173, %dma_wait3A_174] : memref<100000x128xf32, #tpu.memory_space<hbm>> -> memref<80x128xf32, #tpu.memory_space<hbm>>
    tpu.wait_dma2 semaphore(%arg32 : memref<!tpu.dma_semaphore, #tpu.memory_space<semaphore_mem>>) src(%dma_wait3A_175 : memref<80x128xf32, #tpu.memory_space<hbm>>) dst(%arg12 : memref<80x128xf32, #tpu.memory_space<vmem>>)
    %dma_wait3A_176 = arith.constant 0 : i32
    %dma_wait3A_177 = arith.constant 0 : i32
    %dma_wait3A_178 = tpu.memref_slice %arg4[%dma_wait3A_176, %dma_wait3A_177] : memref<100000x128xf32, #tpu.memory_space<hbm>> -> memref<80x128xf32, #tpu.memory_space<hbm>>
    %dma_wait3A_179 = arith.constant 0 : i32
    %dma_wait3A_180 = arith.constant 0 : i32
    %dma_wait3A_181 = tpu.memref_slice %arg4[%dma_wait3A_179, %dma_wait3A_180] : memref<100000x128xf32, #tpu.memory_space<hbm>> -> memref<80x128xf32, #tpu.memory_space<hbm>>
    tpu.wait_dma2 semaphore(%arg33 : memref<!tpu.dma_semaphore, #tpu.memory_space<semaphore_mem>>) src(%dma_wait3A_181 : memref<80x128xf32, #tpu.memory_space<hbm>>) dst(%arg13 : memref<80x128xf32, #tpu.memory_space<vmem>>)
    return
  }
}

</mosaic_0001>

<sc_bundles>
// kernel: kernel.3.cloned.1.call-start
scs
__scs_entry_jumppad:
0x0: {  	(pc) =	sbr.rel $0x88, $3  }
0x1: {  	(tag) =	ssettag $0x0;
	lr =	simm.s32 $0x1  }
0x2: {  	[smem:$0x3F9D] =	sst lr;
	_ =	strace $0xD0000000  }
0x3: {  	_ = 	snop  }
0x4: {  	_ = 	snop  }
0x5: {  	_ = 	snop  }
0x6: {  	_ = 	snop  }
0x7: {  	_ = 	snop  }
__scs_overlays_trampoline_lowered:
0x8: {  	[smem:$0x3FAC] =	sst s0  }
0x9: {  	[smem:$0x3FAD] =	sst s1  }
0xa: {  	[smem:$0x3FAE] =	sst s2  }
0xb: {  	[smem:$0x3FAF] =	sst s3  }
0xc: {  	[smem:$0x3FB0] =	sst s4  }
0xd: {  	[smem:$0x3FB1] =	sst s5  }
0xe: {  	[smem:$0x3FB2] =	sst s6  }
0xf: {  	[smem:$0x3FB3] =	sst s7  }
0x10: {  	[smem:$0x3FB4] =	sst s8  }
0x11: {  	[smem:$0x3FB5] =	sst s9;
	s0 =	simm.s32 @!p0 $0x0  }
0x12: {  	s1 =	sld [smem:$0x3F9B];
	s0 =	simm.s32 @p0 $0x1  }
0x13: {  	[smem:$0x3FB6] =	sst s0;
	s0 =	simm.s32 @!p1 $0x0  }
0x14: {  	s2 =	sld [smem:$0x3F9A];
	s0 =	simm.s32 @p1 $0x1  }
0x15: {  	[smem:$0x3FB7] =	sst s0;
	s0 =	simm.s32 @!p2 $0x0  }
0x16: {  	s3 =	sld [smem:$0x3FDB];
	s0 =	simm.s32 @p2 $0x1  }
0x17: {  	s4 =	simm.s32 $0x1BF5;
	[smem:$0x3FB9] =	sst s0  }
0x18: {  	s0 =	sld [smem:$0x3F9C];
	_ =	swait.ge [sflag:s4], $0x0  }
0x19: {  	s7 =	sld [smem:$0x3F9D]  }
0x1a: {  	s8 =	sadd.s32 $0xFFFFE003, lr  }
0x1b: {  	s9 =	sadd.s32 $0xFFFFFEF7, lr;
	s5 =	simm.s32 $0xFFFFFFFF;
	p2 =	slt.u32 s8, $0xFFFFF086  }
0x1c: {  	p1 =	slt.u32 s9, $0xF7A;
	s5 =	simm.s32 @!p2 $0x0  }
0x1d: {  	s5 =	simm.s32 @p1 $0x1;
	p0 =	seq.s32 s7, s2  }
0x1e: {  	s7 =	smul.u32 @!p0 $0xF7A, s2;
	p2 =	seq.s32 @!p0 s5, $0x0  }
0x1f: {  	s9 =	smul.u32 $0xF7A, s1;
	s8 =	simm.s32 @!p0 $0x1BF5;
	p2 =	por !p2, p0  }
0x20: {  	[sflag:s8] =	ssyncset.s32 @!p0 $0xFFFFF086;
	s6 =	sadd.s32 @!p0 s3, s7;
	s7 =	simm.s32 @!p0 $0x108  }
0x21: {  	s3 =	sadd.s32 s3, s9;
	s6 =	sadd.s32 @!p0 $0x88, s6;
	s7 =	simm.s32 @p2 $0x1082  }
0x22: {  	[simem:s7], [sflag:s8] =	dma.local @!p0 [hbm:s6], $0xF7A  }
0x23: {  	s9 =	sor.u32 $0xD0000000, s2;
	s6 =	simm.s32 $0x108;
	_ =	swait.ge @!p0 [sflag:s8], $0x0  }
0x24: {  	s3 =	sadd.s32 $0x88, s3;
	s6 =	simm.s32 @!p1 $0x1082;
	[sflag:s4] =	ssyncset.s32 $0xFFFFF086  }
0x25: {  	[simem:s6], [sflag:s4] =	dma.local [hbm:s3], $0xF7A  }
0x26: {  	[smem:$0x3F9D] =	sst s1;
	(tag) =	ssettag s2;
	_ =	strace s9  }
0x27: {  	s1 =	sld [smem:$0x3FAD]  }
0x28: {  	s2 =	sld [smem:$0x3FAE]  }
0x29: {  	s4 =	sld [smem:$0x3FB0]  }
0x2a: {  	p0 =	seq.s32 s5, $0x0;
	s5 =	sld [smem:$0x3FB1]  }
0x2b: {  	s6 =	sld [smem:$0x3FB2]  }
0x2c: {  	s7 =	sld [smem:$0x3FB3]  }
0x2d: {  	s3 =	simm.s32 $0x108;
	s8 =	sld [smem:$0x3FB4]  }
0x2e: {  	s3 =	simm.s32 @!p0 $0x1082;
	s9 =	sld [smem:$0x3FB5]  }
0x2f: {  	lr =	sadd.s32 s0, s3;
	s0 =	sld [smem:$0x3FAC]  }
0x30: {  	s3 =	sld [smem:$0x3FAF]  }
0x31: {  	[smem:$0x3FB8] =	sst s10  }
0x32: {  	s10 =	sld [smem:$0x3FB6];
	_ =	sdelay $0x3  }
0x33: {  	p0 =	seq.s32 s10, $0x1;
	s10 =	sld [smem:$0x3FB8];
	_ =	sdelay $0x3  }
0x34: {  	[smem:$0x3FB8] =	sst s10  }
0x35: {  	s10 =	sld [smem:$0x3FB7];
	_ =	sdelay $0x3  }
0x36: {  	p1 =	seq.s32 s10, $0x1;
	s10 =	sld [smem:$0x3FB8];
	_ =	sdelay $0x3  }
0x37: {  	[smem:$0x3FB8] =	sst s10  }
0x38: {  	s10 =	sld [smem:$0x3FB9]  }
0x39: {  	_ = 	snop;
	(pc) =	sbr.ind lr, $3  }
0x3a: {  	_ = 	snop  }
0x3b: {  	_ = 	snop  }
0x3c: {  	p2 =	seq.s32 s10, $0x1;
	s10 =	sld [smem:$0x3FB8]  }
0x3d: {  	_ =	shalt  }
0x3e: {  	_ =	shalt  }
0x3f: {  	_ =	shalt  }
0x40: {  	_ =	shalt  }
0x41: {  	_ =	shalt  }
0x42: {  	_ =	shalt  }
0x43: {  	_ =	shalt  }
0x44: {  	_ =	shalt  }
0x45: {  	_ =	shalt  }
0x46: {  	_ =	shalt  }
0x47: {  	_ =	shalt  }
0x48: {  	_ =	shalt  }
0x49: {  	_ =	shalt  }
0x4a: {  	_ =	shalt  }
0x4b: {  	_ =	shalt  }
0x4c: {  	_ =	shalt  }
0x4d: {  	_ =	shalt  }
0x4e: {  	_ =	shalt  }
0x4f: {  	_ =	shalt  }
0x50: {  	_ =	shalt  }
0x51: {  	_ =	shalt  }
0x52: {  	_ =	shalt  }
0x53: {  	_ =	shalt  }
0x54: {  	_ =	shalt  }
0x55: {  	_ =	shalt  }
0x56: {  	_ =	shalt  }
0x57: {  	_ =	shalt  }
0x58: {  	_ =	shalt  }
0x59: {  	_ =	shalt  }
0x5a: {  	_ =	shalt  }
0x5b: {  	_ =	shalt  }
0x5c: {  	_ =	shalt  }
0x5d: {  	_ =	shalt  }
0x5e: {  	_ =	shalt  }
0x5f: {  	_ =	shalt  }
0x60: {  	_ =	shalt  }
0x61: {  	_ =	shalt  }
0x62: {  	_ =	shalt  }
0x63: {  	_ =	shalt  }
0x64: {  	_ =	shalt  }
0x65: {  	_ =	shalt  }
0x66: {  	_ =	shalt  }
0x67: {  	_ =	shalt  }
0x68: {  	_ =	shalt  }
0x69: {  	_ =	shalt  }
0x6a: {  	_ =	shalt  }
0x6b: {  	_ =	shalt  }
0x6c: {  	_ =	shalt  }
0x6d: {  	_ =	shalt  }
0x6e: {  	_ =	shalt  }
0x6f: {  	_ =	shalt  }
0x70: {  	_ =	shalt  }
0x71: {  	_ =	shalt  }
0x72: {  	_ =	shalt  }
0x73: {  	_ =	shalt  }
0x74: {  	_ =	shalt  }
0x75: {  	_ =	shalt  }
0x76: {  	_ =	shalt  }
0x77: {  	_ =	shalt  }
0x78: {  	_ =	shalt  }
0x79: {  	_ =	shalt  }
0x7a: {  	_ =	shalt  }
0x7b: {  	_ =	shalt  }
0x7c: {  	_ =	shalt  }
0x7d: {  	_ =	shalt  }
0x7e: {  	_ =	shalt  }
0x7f: {  	_ =	shalt  }
0x80: {  	_ =	shalt  }
0x81: {  	_ =	shalt  }
0x82: {  	_ =	shalt  }
0x83: {  	_ =	shalt  }
0x84: {  	_ =	shalt  }
0x85: {  	_ =	shalt  }
0x86: {  	_ =	shalt  }
0x87: {  	_ =	shalt  }
.Lfunc_end0:
.L_simem_size_0:
called_computation_lowered:
.L_overlay_start_0:
0x88: {  	s2 =	sld [smem:$0x3FD9]  }
0x89: {  	s3 =	sld [smem:$0x3FFE];
	_ =	sdelay $0x1  }
0x8a: {  	s1 =	srdreg.scid  }
0x8b: {  	s0 =	sand.u32 $0x1, s1  }
0x8c: {  	s17 =	sshll.u32 s0, $0xA;
	s2 =	sadd.s32 s3, s2  }
0x8d: {  	s2 =	sadd.s32 s2, s17  }
0x8e: {  	[smem:$0x3FC4] =	sst s2  }
0x8f: {  	_ = 	snop  }
0x90: {  	s2 =	sld [smem:$0x3FC7]  }
0x91: {  	s18 =	sld [smem:$0x3FC6]  }
0x92: {  	s4 =	sld [smem:$0x3FD0];
	(tm) =	ssettm $0x1  }
0x93: {  	s5 =	sld [smem:$0x3FFB];
	_ =	sdelay $0x3  }
0x94: {  	_ =	strace s5  }
0x95: {  	s5 =	sld [smem:$0x3FFC];
	_ =	sdelay $0x3  }
0x96: {  	_ =	strace s5  }
0x97: {  	s5 =	sld [smem:$0x3FFD];
	_ =	sdelay $0x3  }
0x98: {  	_ =	strace s5  }
0x99: {  	_ =	strace $0x8FFFFFFF  }
0x9a: {  	s19 =	sld [smem:$0x3FDB];
	_ =	sdelay $0x1  }
0x9b: {  	s6 =	simm.s32 $_scs_section_size  }
0x9c: {  	s7 =	simm.s32 $_size__tile_overlayer_lowered;
	s8 =	simm.s32 $_tile_overlayer_lowered  }
0x9d: {  	s22 =	simm.s32 $0x1BFF;
	s21 =	sshll.u32 s8, $0x1;
	s5 =	sadd.s32 s6, s19  }
0x9e: {  	s9 =	simm.s32 $0x0;
	s20 =	sshll.u32 s7, $0x1;
	s7 =	sadd.s32 s21, s5  }
0x9f: {  	[timem:s9], [sflag:s22] =	dma.local [hbm:s7], s20  }
0xa0: {  	_ =	swait.ge [sflag:s22], s20  }
0xa1: {  	s6 =	ssub.s32 $0x0, s20;
	[sflag:s22] =	ssyncset.done $0x0  }
0xa2: {  	[sflag:s22] =	ssyncadd.s32 s6;
	_ =	sdelay $0x1  }
0xa3: {  	s23 =	simm.s32 $0x1B8B  }
0xa4: {  	_ =	swait.ge [sflag:s23], $0x1  }
0xa5: {  	[sflag:s23] =	ssyncset.done $0x0  }
0xa6: {  	s25 =	simm.s32 $0x1B8E;
	s24 =	sld [smem:$0x3FFE];
	[sflag:s23] =	ssyncadd.s32 $0xFFFFFFFF  }
0xa7: {  	s26 =	simm.s32 $execute0_lowered;
	[smem:$0x3FD2] =	sst s25  }
0xa8: {  	s7 =	sshll.u32 s26, $0x1;
	_ =	strace $0x80000046;
	[dreg:$0x1] =	wrdreg $0xFFFFFFFF  }
0xa9: {  	s28 =	simm.s32 $_size_execute0_lowered;
	s5 =	sadd.s32 s5, s7;
	[dreg:$0x0] =	wrdreg $0x0  }
0xaa: {  	s7 =	sshll.u32 s28, $0x1;
	[dreg:$0x2] =	wrdreg s5  }
0xab: {  	[dreg:$0x3] =	wrdreg s7  }
0xac: {  	[dreg:$0x4] =	wrdreg $0xC0  }
0xad: {  	_ =	task [dreg:s9], $0x5FFFF  }
0xae: {  	[dreg:$0x1] =	wrdreg $0xFFFFFFFF  }
0xaf: {  	[dreg:$0x0] =	wrdreg $0x60  }
0xb0: {  	[dreg:$0x2] =	wrdreg s24  }
0xb1: {  	[dreg:$0x3] =	wrdreg s2  }
0xb2: {  	[dreg:$0x4] =	wrdreg s18  }
0xb3: {  	[dreg:$0x5] =	wrdreg s4  }
0xb4: {  	[dreg:$0x6] =	wrdreg $0x9  }
0xb5: {  	_ =	task.clear_ibuf [dreg:s9], $0x7FFFF;
	_ =	strace $0x90000046  }
0xb6: {  	s29 =	simm.s32 $0x9;
	_ =	strace $0x80000048  }
0xb7: {  	_ =	swait.ge [sflag:s29], $0x1  }
0xb8: {  	[sflag:s29] =	ssyncadd.s32 $0xFFFFFFFF  }
0xb9: {  	_ =	strace $0x90000048  }
0xba: {  	_ =	sfence  }
0xbb: {  	s30 =	sld [smem:$0x0];
	_ =	sdelay $0x2  }
0xbc: {  	s31 =	sshll.u32 s1, $0xD;
	s1 =	sshrl.u32 s1, $0x2  }
0xbd: {  	s3 =	sand.u32 $0x4000, s31;
	s1 =	sadd.s32 s1, s30  }
0xbe: {  	s0 =	sor.u32 s3, s0;
	s1 =	sshll.u32 s1, $0x11  }
0xbf: {  	s0 =	sor.u32 s1, s0  }
0xc0: {  	s0 =	sadd.s32 $0x8F2B, s0  }
0xc1: {  	[sflag:s0] =	ssyncadd.remote.s32 $0x1  }
0xc2: {  	_ =	sfence.sel $0xFFFF  }
0xc3: {  	[dreg:$0x0] =	wrdreg $0xFFFFFFFF;
	(pc) =	sbr.abs _section_cstart, $3  }
0xc4: {  	[dreg:$0x1] =	wrdreg $0xFFFFFFFF  }
0xc5: {  	_ =	task.clear_ibuf [dreg:s9], $0x2FFFF;
	_ =	strace $0x9FFFFFFF  }
0xc6: {  	(tm) =	ssettm $0x7FFFFFFF  }
0xc7: {  	_ =	shalt  }
tec
execute0_lowered:
.L_overlay_start_1:
0x0: {  	(tag) =	ssettag $0x1  }
0x1: {  	s0 =	rddreg [dreg:$0x0]  }
0x2: {  	s1 =	rddreg [dreg:$0x1]  }
0x3: {  	s2 =	rddreg [dreg:$0x2]  }
0x4: {  	s4 =	rddreg [dreg:$0x3];
	s5 =	simm.s32 $0x0;
	s3 =	srdreg.scid  }
0x5: {  	s6 =	stileid.u32;
	s20 =	simm.s32 $0x1;
	s21 =	simm.s32 $0x6  }
0x6: {  	s28 =	simm.s32 $0x2;
	s29 =	simm.s32 $0x7;
	s30 =	simm.s32 $0x10000  }
0x7: {  	s17 =	simm.s32 $0x8;
	s3 =	sand.u32 $0x1, s3;
	s6 =	sshll.u32 s6, $0x1  }
0x8: {  	s11 =	simm.s32 $0x5;
	s8 =	ssub.s32 $0x2, s3;
	s3 =	sor.u32 s3, s6  }
0x9: {  	s12 =	simm.s32 $0xA;
	s15 =	simm.s32 $0x0;
	s10 =	smul.u32 $0x1400, s3  }
0xa: {  	[smem:$0x7FF] =	sst s5;
	s7 =	sadd.s32 $0x28600, s0;
	s6 =	sadd.s32 $0x600, s0  }
0xb: {  	_ =	strace $0x80000047;
	s9 =	sshrl.u32 s8, $0x1;
	s23 =	sadd.s32 s6, s10  }
0xc: {  	s22 =	ssub.s32 s8, s9;
	s24 =	sadd.s32 s7, s10;
	[dreg:$0x5] =	wrdreg s23  }
0xd: {  	s25 =	sor.u32 $0x200, s10;
	s0 =	smax.u32 s22, $0x1;
	[dreg:$0x6] =	wrdreg s24  }
0xe: {  	s8 =	smul.u32 $0x140, s3;
	s10 =	sadd.s32 s6, s25;
	[dreg:$0xb] =	wrdreg s0  }
0xf: {  	s13 =	smul.u32 $0xA000, s3;
	s9 =	sadd.s32 s7, s25;
	[dreg:$0x7] =	wrdreg s10  }
0x10: {  	s3 =	simm.s32 $0x3;
	s26 =	sor.u32 $0x1, s8;
	[dreg:$0x8] =	wrdreg s9  }
0x11: {  	s22 =	simm.s32 $0x50;
	s31 =	sor.u32 $0x2, s8;
	[dreg:$0x9] =	wrdreg s26  }
0x12: {  	[dreg:$0xa] =	wrdreg s31;
	s9 =	simm.s32 $0x4;
	s10 =	simm.s32 $0x9  }
.LBB2_1:
0x13: {  	[dreg:$0xc] =	wrdreg s15  }
0x14: {  	s0 =	rddreg [dreg:$0x5]  }
0x15: {  	[tilespmem:s5], [sflag:$0x10] =	stream.linear.gather [hbm4b:s0+s5], $0x1000, $0x38;
	[tilespmem:$0x1F000] =	vst v63  }
0x16: {  	s16 =	rddreg [dreg:$0x6];
	s14 =	simm.s32 $0x3000;
	s18 =	simm.s32 $0x10  }
0x17: {  	[tilespmem:s14], [sflag:$0x11] =	stream.linear.gather [hbm4b:s16+s5], $0x1000, $0x38;
	[tilespmem:$0x1F000] =	vst v63  }
0x18: {  	_ =	swait.ge [sflag:s18], $0x1000  }
0x19: {  	[sflag:s18] =	ssyncset.done $0x0  }
0x1a: {  	s19 =	simm.s32 $0x11;
	[sflag:s18] =	ssyncadd.s32 $0xFFFFF000  }
0x1b: {  	_ =	swait.ge [sflag:s19], $0x1000  }
0x1c: {  	[sflag:s19] =	ssyncset.done $0x0  }
0x1d: {  	s24 =	simm.s32 $0x1000;
	s23 =	rddreg [dreg:$0x7];
	[sflag:s19] =	ssyncadd.s32 $0xFFFFF000  }
0x1e: {  	[tilespmem:s24], [sflag:$0x10] =	stream.linear.gather [hbm4b:s23+s5], $0x1000, $0x38;
	[tilespmem:$0x1F000] =	vst v63  }
0x1f: {  	s26 =	simm.s32 $0x4000;
	s25 =	rddreg [dreg:$0x8]  }
0x20: {  	[tilespmem:s26], [sflag:$0x11] =	stream.linear.gather [hbm4b:s25+s5], $0x1000, $0x38;
	[tilespmem:$0x1F000] =	vst v63  }
0x21: {  	s31 =	simm.s32 $0x6000  }
0x22: {  	[tilespmem:s31], [sflag:$0x1] =	stream.indirect.gather [hbm4b:s1+s22], $0x80, s5, s22, $0xb8;
	[tilespmem:$0x1F000] =	vst v63  }
0x23: {  	s15 =	simm.s32 $0x12800  }
0x24: {  	[tilespmem:s15], [sflag:$0x6] =	stream.indirect.gather [hbm4b:s2+s22], $0x80, s14, s22, $0xb8;
	[tilespmem:$0x1F000] =	vst v63  }
0x25: {  	s16 =	simm.s32 $0x80;
	s18 =	simm.s32 $0x8800  }
0x26: {  	[tilespmem:s18], [sflag:$0x2] =	stream.indirect.gather [hbm4b:s1+s22], $0x80, s16, s22, $0xb8;
	[tilespmem:$0x1F000] =	vst v63  }
0x27: {  	s19 =	simm.s32 $0x3080;
	s23 =	simm.s32 $0x15000  }
0x28: {  	[tilespmem:s23], [sflag:$0x7] =	stream.indirect.gather [hbm4b:s2+s22], $0x80, s19, s22, $0xb8;
	[tilespmem:$0x1F000] =	vst v63  }
0x29: {  	s24 =	simm.s32 $0x100;
	s25 =	simm.s32 $0xB000  }
0x2a: {  	[tilespmem:s25], [sflag:$0x3] =	stream.indirect.gather [hbm4b:s1+s22], $0x80, s24, s22, $0xb8;
	[tilespmem:$0x1F000] =	vst v63  }
0x2b: {  	s26 =	simm.s32 $0x3100;
	s31 =	simm.s32 $0x17800;
	s16 =	simm.s32 $0x0  }
0x2c: {  	[tilespmem:s31], [sflag:$0x8] =	stream.indirect.gather [hbm4b:s2+s22], $0x80, s26, s22, $0xb8;
	[tilespmem:$0x1F000] =	vst v63  }
.LBB2_2:
0x2d: {  	_ =	swait.ge [sflag:s20], $0x2800  }
0x2e: {  	[sflag:s20] =	ssyncset.done $0x0  }
0x2f: {  	[sflag:s20] =	ssyncadd.s32 $0xFFFFD800  }
0x30: {  	_ =	swait.ge [sflag:s21], $0x2800  }
0x31: {  	[sflag:s21] =	ssyncset.done $0x0  }
0x32: {  	s19 =	simm.s32 $0x0;
	s0 =	simm.s32 $0x200;
	[sflag:s21] =	ssyncadd.s32 $0xFFFFD800  }
.LBB2_3:
0x33: {  	p0 =	sne.s32 s0, $0x9E00;
	v0 =	vld [tilespmem:s19+$0x12870]  }
0x34: {  	v1 =	vld [tilespmem:s19+$0x12800]  }
0x35: {  	v2 =	vld [tilespmem:s19+$0x12810]  }
0x36: {  	v3 =	vld [tilespmem:s19+$0x12820]  }
0x37: {  	v4 =	vld [tilespmem:s19+$0x12830]  }
0x38: {  	[tilespmem:s19+$0x6070] =	vst.add.f32.msk $0xffff, v0  }
0x39: {  	v0 =	vld [tilespmem:s19+$0x12840]  }
0x3a: {  	v5 =	vld [tilespmem:s19+$0x12850]  }
0x3b: {  	v6 =	vld [tilespmem:s19+$0x12860]  }
0x3c: {  	[tilespmem:s19+$0x6000] =	vst.add.f32.msk $0xffff, v1  }
0x3d: {  	[tilespmem:s19+$0x6010] =	vst.add.f32.msk $0xffff, v2  }
.Ltmp0:
0x3e: {  	[tilespmem:s19+$0x6020] =	vst.add.f32.msk $0xffff, v3;
	(pc) =	sbr.rel @p0 .LBB2_3-.Ltmp0, $4  }
0x3f: {  	[tilespmem:s19+$0x6030] =	vst.add.f32.msk $0xffff, v4  }
0x40: {  	[tilespmem:s19+$0x6040] =	vst.add.f32.msk $0xffff, v0  }
0x41: {  	[tilespmem:s19+$0x6050] =	vst.add.f32.msk $0xffff, v5  }
0x42: {  	[tilespmem:s19+$0x6060] =	vst.add.f32.msk $0xffff, v6;
	s19 =	sshra.s32 s0, $0x2;
	s0 =	sadd.s32 $0x200, s0  }
0x43: {  	v0 =	vld [tilespmem:s19+$0x12870]  }
0x44: {  	v1 =	vld [tilespmem:s19+$0x12800]  }
0x45: {  	v2 =	vld [tilespmem:s19+$0x12810]  }
0x46: {  	v3 =	vld [tilespmem:s19+$0x12820]  }
0x47: {  	v4 =	vld [tilespmem:s19+$0x12830]  }
0x48: {  	v63 =	vld [tilespmem:s19+$0x12840]  }
0x49: {  	v5 =	vld [tilespmem:s19+$0x12850]  }
0x4a: {  	v6 =	vld [tilespmem:s19+$0x12860]  }
0x4b: {  	[tilespmem:s19+$0x6070] =	vst.add.f32.msk $0xffff, v0  }
0x4c: {  	[tilespmem:s19+$0x6000] =	vst.add.f32.msk $0xffff, v1  }
0x4d: {  	s18 =	smul.u32 $0x5, s16;
	[tilespmem:s19+$0x6010] =	vst.add.f32.msk $0xffff, v2  }
0x4e: {  	[tilespmem:s19+$0x6020] =	vst.add.f32.msk $0xffff, v3  }
0x4f: {  	s0 =	sadd.s32 s8, s18;
	[tilespmem:s19+$0x6030] =	vst.add.f32.msk $0xffff, v4  }
0x50: {  	s0 =	smul.u32 $0x500, s0;
	[tilespmem:s19+$0x6040] =	vst.add.f32.msk $0xffff, v63  }
0x51: {  	s14 =	simm.s32 $0x6000;
	[tilespmem:s19+$0x6050] =	vst.add.f32.msk $0xffff, v5  }
0x52: {  	p0 =	seq.s32 s16, $0x0;
	s25 =	sadd.s32 $0x3, s18;
	[tilespmem:s19+$0x6060] =	vst.add.f32.msk $0xffff, v6;
	s0 =	sadd.s32 s4, s0  }
0x53: {  	[hbm4b:s0+s5] =	stream.linear.scatter [tilespmem:s14], [sflag:$0xB], $0x2800, $0x38;
	[tilespmem:$0x1F000] =	vst v63  }
0x54: {  	s19 =	simm.s32 @!p0 $0xE;
	s0 =	sand.u32 $0x1F, s25  }
0x55: {  	p2 =	sne.s32 s0, $0x0;
	_ =	swait.ge @!p0 [sflag:s19], $0x2800  }
0x56: {  	p1 =	sgt.u32 @!p2 s16, $0x38;
	[sflag:s19] =	ssyncset.done @!p0 $0x0  }
0x57: {  	p1 =	por p1, p2;
	[sflag:s19] =	ssyncadd.s32 @!p0 $0xFFFFD800;
	s19 =	simm.s32 @!p2 $0x10  }
0x58: {  	s23 =	sshrl.u32 @!p1 s25, $0x5;
	_ =	swait.ge @!p2 [sflag:s19], $0x1000  }
0x59: {  	s24 =	sshrl.u32 s25, $0x5;
	s23 =	sadd.s32 @!p1 $0x1, s23;
	[sflag:s19] =	ssyncset.done @!p2 $0x0  }
0x5a: {  	s26 =	smulhi.u32 @!p1 $0x55555556, s23;
	[sflag:s19] =	ssyncadd.s32 @!p2 $0xFFFFF000;
	s19 =	simm.s32 @!p2 $0x11  }
0x5b: {  	s15 =	smulhi.u32 $0x55555556, s24;
	_ =	swait.ge @!p2 [sflag:s19], $0x1000  }
0x5c: {  	s31 =	sshll.u32 @!p1 s23, $0xC;
	s26 =	smul.u32 @!p1 $0x3, s26;
	[sflag:s19] =	ssyncset.done @!p2 $0x0  }
0x5d: {  	[sflag:s19] =	ssyncadd.s32 @!p2 $0xFFFFF000;
	s19 =	sadd.s32 @!p1 s13, s31  }
0x5e: {  	s15 =	smul.u32 $0x3, s15;
	s23 =	ssub.s32 @!p1 s23, s26;
	s19 =	sshrl.u32 @!p1 s19, $0x3  }
0x5f: {  	s14 =	simm.s32 @!p1 $0x0;
	s23 =	sshll.u32 @!p1 s23, $0xC;
	s31 =	sadd.s32 @!p1 s6, s19  }
0x60: {  	[tilespmem:s23], [sflag:$0x10] =	stream.linear.gather @!p1 [hbm4b:s31+s14], $0x1000, $0x38;
	[tilespmem:$0x1F000] =	vst v63  }
0x61: {  	s24 =	ssub.s32 s24, s15;
	s19 =	sadd.s32 @!p1 s7, s19;
	s23 =	sadd.s32 @!p1 $0x3000, s23  }
0x62: {  	[tilespmem:s23], [sflag:$0x11] =	stream.linear.gather @!p1 [hbm4b:s19+s14], $0x1000, $0x38;
	[tilespmem:$0x1F000] =	vst v63  }
0x63: {  	s0 =	sshll.u32 s0, $0x7;
	s14 =	sshll.u32 s24, $0xC  }
0x64: {  	s26 =	simm.s32 $0xD800;
	s0 =	sor.u32 s0, s14  }
0x65: {  	[tilespmem:s26], [sflag:$0x4] =	stream.indirect.gather [hbm4b:s1+s22], $0x80, s0, s22, $0xb8;
	[tilespmem:$0x1F000] =	vst v63  }
0x66: {  	s31 =	simm.s32 $0x1A000;
	s0 =	sadd.s32 $0x3000, s0  }
0x67: {  	[tilespmem:s31], [sflag:$0x9] =	stream.indirect.gather [hbm4b:s2+s22], $0x80, s0, s22, $0xb8;
	[tilespmem:$0x1F000] =	vst v63  }
0x68: {  	_ =	swait.ge [sflag:s28], $0x2800  }
0x69: {  	[sflag:s28] =	ssyncset.done $0x0  }
0x6a: {  	[sflag:s28] =	ssyncadd.s32 $0xFFFFD800  }
0x6b: {  	_ =	swait.ge [sflag:s29], $0x2800  }
0x6c: {  	[sflag:s29] =	ssyncset.done $0x0  }
0x6d: {  	s19 =	simm.s32 $0x0;
	s0 =	simm.s32 $0x200;
	[sflag:s29] =	ssyncadd.s32 $0xFFFFD800  }
.LBB2_5:
0x6e: {  	p1 =	sne.s32 s0, $0x9E00;
	v0 =	vld [tilespmem:s19+$0x15070]  }
0x6f: {  	v1 =	vld [tilespmem:s19+$0x15000]  }
0x70: {  	v2 =	vld [tilespmem:s19+$0x15010]  }
0x71: {  	v3 =	vld [tilespmem:s19+$0x15020]  }
0x72: {  	v4 =	vld [tilespmem:s19+$0x15030]  }
0x73: {  	[tilespmem:s19+$0x8870] =	vst.add.f32.msk $0xffff, v0  }
0x74: {  	v0 =	vld [tilespmem:s19+$0x15040]  }
0x75: {  	v5 =	vld [tilespmem:s19+$0x15050]  }
0x76: {  	v6 =	vld [tilespmem:s19+$0x15060]  }
0x77: {  	[tilespmem:s19+$0x8800] =	vst.add.f32.msk $0xffff, v1  }
0x78: {  	[tilespmem:s19+$0x8810] =	vst.add.f32.msk $0xffff, v2  }
.Ltmp1:
0x79: {  	[tilespmem:s19+$0x8820] =	vst.add.f32.msk $0xffff, v3;
	(pc) =	sbr.rel @p1 .LBB2_5-.Ltmp1, $4  }
0x7a: {  	[tilespmem:s19+$0x8830] =	vst.add.f32.msk $0xffff, v4  }
0x7b: {  	[tilespmem:s19+$0x8840] =	vst.add.f32.msk $0xffff, v0  }
0x7c: {  	[tilespmem:s19+$0x8850] =	vst.add.f32.msk $0xffff, v5  }
0x7d: {  	[tilespmem:s19+$0x8860] =	vst.add.f32.msk $0xffff, v6;
	s19 =	sshra.s32 s0, $0x2;
	s0 =	sadd.s32 $0x200, s0  }
0x7e: {  	v0 =	vld [tilespmem:s19+$0x15070]  }
0x7f: {  	v1 =	vld [tilespmem:s19+$0x15000]  }
0x80: {  	v2 =	vld [tilespmem:s19+$0x15010]  }
0x81: {  	v3 =	vld [tilespmem:s19+$0x15020]  }
0x82: {  	v4 =	vld [tilespmem:s19+$0x15030]  }
0x83: {  	v63 =	vld [tilespmem:s19+$0x15040]  }
0x84: {  	v5 =	vld [tilespmem:s19+$0x15050]  }
0x85: {  	v6 =	vld [tilespmem:s19+$0x15060]  }
0x86: {  	[tilespmem:s19+$0x8870] =	vst.add.f32.msk $0xffff, v0  }
0x87: {  	[tilespmem:s19+$0x8800] =	vst.add.f32.msk $0xffff, v1  }
0x88: {  	[tilespmem:s19+$0x8810] =	vst.add.f32.msk $0xffff, v2  }
0x89: {  	s0 =	rddreg [dreg:$0x9];
	[tilespmem:s19+$0x8820] =	vst.add.f32.msk $0xffff, v3  }
0x8a: {  	s0 =	sadd.s32 s18, s0;
	[tilespmem:s19+$0x8830] =	vst.add.f32.msk $0xffff, v4  }
0x8b: {  	s0 =	smul.u32 $0x500, s0;
	[tilespmem:s19+$0x8840] =	vst.add.f32.msk $0xffff, v63  }
0x8c: {  	[tilespmem:s19+$0x8850] =	vst.add.f32.msk $0xffff, v5  }
0x8d: {  	s14 =	simm.s32 $0x8800;
	s0 =	sadd.s32 s4, s0;
	[tilespmem:s19+$0x8860] =	vst.add.f32.msk $0xffff, v6;
	s19 =	sadd.s32 $0x4, s18  }
0x8e: {  	[hbm4b:s0+s5] =	stream.linear.scatter [tilespmem:s14], [sflag:$0xC], $0x2800, $0x38;
	[tilespmem:$0x1F000] =	vst v63  }
0x8f: {  	s0 =	sand.u32 $0x1F, s19;
	s14 =	simm.s32 @!p0 $0xF  }
0x90: {  	p2 =	sne.s32 s0, $0x0;
	_ =	swait.ge @!p0 [sflag:s14], $0x2800  }
0x91: {  	p1 =	sgt.u32 @!p2 s16, $0x38;
	[sflag:s14] =	ssyncset.done @!p0 $0x0  }
0x92: {  	p1 =	por p1, p2;
	[sflag:s14] =	ssyncadd.s32 @!p0 $0xFFFFD800;
	s14 =	simm.s32 @!p2 $0x10  }
0x93: {  	s15 =	sshrl.u32 @!p1 s19, $0x5;
	_ =	swait.ge @!p2 [sflag:s14], $0x1000  }
0x94: {  	s15 =	sadd.s32 @!p1 $0x1, s15;
	[sflag:s14] =	ssyncset.done @!p2 $0x0  }
0x95: {  	s23 =	smulhi.u32 @!p1 $0x55555556, s15;
	[sflag:s14] =	ssyncadd.s32 @!p2 $0xFFFFF000;
	s14 =	simm.s32 @!p2 $0x11  }
0x96: {  	_ =	swait.ge @!p2 [sflag:s14], $0x1000  }
0x97: {  	s26 =	sshll.u32 @!p1 s15, $0xC;
	s23 =	smul.u32 @!p1 $0x3, s23;
	[sflag:s14] =	ssyncset.done @!p2 $0x0  }
0x98: {  	s31 =	simm.s32 @!p1 $0x0;
	[sflag:s14] =	ssyncadd.s32 @!p2 $0xFFFFF000;
	s14 =	sadd.s32 @!p1 s13, s26  }
0x99: {  	s15 =	ssub.s32 @!p1 s15, s23;
	s14 =	sshrl.u32 @!p1 s14, $0x3;
	s23 =	sshrl.u32 s19, $0x5  }
0x9a: {  	s15 =	sshll.u32 @!p1 s15, $0xC;
	s26 =	sadd.s32 @!p1 s6, s14;
	s24 =	smulhi.u32 $0x55555556, s23  }
0x9b: {  	[tilespmem:s15], [sflag:$0x10] =	stream.linear.gather @!p1 [hbm4b:s26+s31], $0x1000, $0x38;
	[tilespmem:$0x1F000] =	vst v63  }
0x9c: {  	s14 =	sadd.s32 @!p1 s7, s14;
	s15 =	sadd.s32 @!p1 $0x3000, s15;
	s24 =	smul.u32 $0x3, s24  }
0x9d: {  	[tilespmem:s15], [sflag:$0x11] =	stream.linear.gather @!p1 [hbm4b:s14+s31], $0x1000, $0x38;
	[tilespmem:$0x1F000] =	vst v63  }
0x9e: {  	s26 =	ssub.s32 s23, s24  }
0x9f: {  	s0 =	sshll.u32 s0, $0x7;
	s14 =	sshll.u32 s26, $0xC  }
0xa0: {  	s0 =	sor.u32 s0, s14  }
0xa1: {  	[tilespmem:s30], [sflag:$0x5] =	stream.indirect.gather [hbm4b:s1+s22], $0x80, s0, s22, $0xb8;
	[tilespmem:$0x1F000] =	vst v63  }
0xa2: {  	s31 =	simm.s32 $0x1C800;
	s0 =	sadd.s32 $0x3000, s0  }
0xa3: {  	[tilespmem:s31], [sflag:$0xA] =	stream.indirect.gather [hbm4b:s2+s22], $0x80, s0, s22, $0xb8;
	[tilespmem:$0x1F000] =	vst v63  }
0xa4: {  	_ =	swait.ge [sflag:s3], $0x2800  }
0xa5: {  	[sflag:s3] =	ssyncset.done $0x0  }
0xa6: {  	[sflag:s3] =	ssyncadd.s32 $0xFFFFD800  }
0xa7: {  	_ =	swait.ge [sflag:s17], $0x2800  }
0xa8: {  	[sflag:s17] =	ssyncset.done $0x0  }
0xa9: {  	s23 =	simm.s32 $0x200;
	s0 =	simm.s32 $0x0;
	[sflag:s17] =	ssyncadd.s32 $0xFFFFD800  }
.LBB2_7:
0xaa: {  	p0 =	sne.s32 s23, $0x9E00;
	v0 =	vld [tilespmem:s0+$0x17870]  }
0xab: {  	v1 =	vld [tilespmem:s0+$0x17800]  }
0xac: {  	v2 =	vld [tilespmem:s0+$0x17810]  }
0xad: {  	v3 =	vld [tilespmem:s0+$0x17820]  }
0xae: {  	v4 =	vld [tilespmem:s0+$0x17830]  }
0xaf: {  	[tilespmem:s0+$0xB070] =	vst.add.f32.msk $0xffff, v0  }
0xb0: {  	v0 =	vld [tilespmem:s0+$0x17840]  }
0xb1: {  	v5 =	vld [tilespmem:s0+$0x17850]  }
0xb2: {  	v6 =	vld [tilespmem:s0+$0x17860]  }
0xb3: {  	[tilespmem:s0+$0xB000] =	vst.add.f32.msk $0xffff, v1  }
0xb4: {  	[tilespmem:s0+$0xB010] =	vst.add.f32.msk $0xffff, v2  }
.Ltmp2:
0xb5: {  	[tilespmem:s0+$0xB020] =	vst.add.f32.msk $0xffff, v3;
	(pc) =	sbr.rel @p0 .LBB2_7-.Ltmp2, $4  }
0xb6: {  	[tilespmem:s0+$0xB030] =	vst.add.f32.msk $0xffff, v4  }
0xb7: {  	[tilespmem:s0+$0xB040] =	vst.add.f32.msk $0xffff, v0  }
0xb8: {  	[tilespmem:s0+$0xB050] =	vst.add.f32.msk $0xffff, v5  }
0xb9: {  	[tilespmem:s0+$0xB060] =	vst.add.f32.msk $0xffff, v6;
	s0 =	sshra.s32 s23, $0x2;
	s23 =	sadd.s32 $0x200, s23  }
0xba: {  	v0 =	vld [tilespmem:s0+$0x17870]  }
0xbb: {  	v1 =	vld [tilespmem:s0+$0x17800]  }
0xbc: {  	v2 =	vld [tilespmem:s0+$0x17810]  }
0xbd: {  	v3 =	vld [tilespmem:s0+$0x17820]  }
0xbe: {  	v4 =	vld [tilespmem:s0+$0x17830]  }
0xbf: {  	v63 =	vld [tilespmem:s0+$0x17840]  }
0xc0: {  	v5 =	vld [tilespmem:s0+$0x17850]  }
0xc1: {  	v6 =	vld [tilespmem:s0+$0x17860]  }
0xc2: {  	[tilespmem:s0+$0xB070] =	vst.add.f32.msk $0xffff, v0  }
0xc3: {  	[tilespmem:s0+$0xB000] =	vst.add.f32.msk $0xffff, v1  }
0xc4: {  	[tilespmem:s0+$0xB010] =	vst.add.f32.msk $0xffff, v2  }
0xc5: {  	s14 =	rddreg [dreg:$0xa];
	[tilespmem:s0+$0xB020] =	vst.add.f32.msk $0xffff, v3  }
0xc6: {  	s14 =	sadd.s32 s18, s14;
	[tilespmem:s0+$0xB030] =	vst.add.f32.msk $0xffff, v4  }
0xc7: {  	s14 =	smul.u32 $0x500, s14;
	[tilespmem:s0+$0xB040] =	vst.add.f32.msk $0xffff, v63  }
0xc8: {  	s31 =	simm.s32 $0xB000;
	[tilespmem:s0+$0xB050] =	vst.add.f32.msk $0xffff, v5  }
0xc9: {  	p0 =	seq.s32 s16, $0x3F;
	s26 =	sadd.s32 s4, s14;
	[tilespmem:s0+$0xB060] =	vst.add.f32.msk $0xffff, v6;
	s0 =	sadd.s32 $0x5, s18  }
0xca: {  	[hbm4b:s26+s5] =	stream.linear.scatter [tilespmem:s31], [sflag:$0xD], $0x2800, $0x38;
	[tilespmem:$0x1F000] =	vst v63  }
0xcb: {  	s14 =	sand.u32 @!p0 $0x1F, s0  }
0xcc: {  	p1 =	sne.s32 @!p0 s14, $0x0  }
0xcd: {  	s15 =	simm.s32 @!p0 $0xB;
	p2 =	por p1, p0  }
0xce: {  	_ =	swait.ge @!p0 [sflag:s15], $0x2800;
	p3 =	sgt.u32 @!p2 s16, $0x38  }
0xcf: {  	[sflag:s15] =	ssyncset.done @!p0 $0x0;
	p1 =	por @!p0 p3, p1  }
0xd0: {  	[sflag:s15] =	ssyncadd.s32 @!p0 $0xFFFFD800;
	s15 =	simm.s32 @!p2 $0x10;
	p1 =	por p1, p0  }
0xd1: {  	_ =	swait.ge @!p2 [sflag:s15], $0x1000;
	s23 =	sshrl.u32 @!p1 s0, $0x5  }
0xd2: {  	[sflag:s15] =	ssyncset.done @!p2 $0x0;
	s23 =	sadd.s32 @!p1 $0x1, s23  }
0xd3: {  	[sflag:s15] =	ssyncadd.s32 @!p2 $0xFFFFF000;
	s15 =	simm.s32 @!p2 $0x11;
	s24 =	smulhi.u32 @!p1 $0x55555556, s23  }
0xd4: {  	_ =	swait.ge @!p2 [sflag:s15], $0x1000  }
0xd5: {  	[sflag:s15] =	ssyncset.done @!p2 $0x0;
	s26 =	sshll.u32 @!p1 s23, $0xC;
	s24 =	smul.u32 @!p1 $0x3, s24  }
0xd6: {  	s0 =	sshrl.u32 @!p0 s0, $0x5;
	[sflag:s15] =	ssyncadd.s32 @!p2 $0xFFFFF000;
	s15 =	sadd.s32 @!p1 s13, s26  }
0xd7: {  	s31 =	smulhi.u32 @!p0 $0x55555556, s0;
	s15 =	sshrl.u32 @!p1 s15, $0x3;
	s23 =	ssub.s32 @!p1 s23, s24  }
0xd8: {  	s26 =	simm.s32 @!p1 $0x0;
	s24 =	sadd.s32 @!p1 s6, s15;
	s23 =	sshll.u32 @!p1 s23, $0xC  }
0xd9: {  	[tilespmem:s23], [sflag:$0x10] =	stream.linear.gather @!p1 [hbm4b:s24+s26], $0x1000, $0x38;
	[tilespmem:$0x1F000] =	vst v63  }
0xda: {  	s15 =	sadd.s32 @!p1 s7, s15;
	s23 =	sadd.s32 @!p1 $0x3000, s23;
	s24 =	smul.u32 @!p0 $0x3, s31  }
0xdb: {  	[tilespmem:s23], [sflag:$0x11] =	stream.linear.gather @!p1 [hbm4b:s15+s26], $0x1000, $0x38;
	[tilespmem:$0x1F000] =	vst v63  }
0xdc: {  	s0 =	ssub.s32 @!p0 s0, s24  }
0xdd: {  	s14 =	sshll.u32 @!p0 s14, $0x7;
	s0 =	sshll.u32 @!p0 s0, $0xC  }
0xde: {  	s15 =	simm.s32 @!p0 $0x6000;
	s0 =	sor.u32 @!p0 s14, s0;
	s14 =	simm.s32 @!p0 $0x50  }
0xdf: {  	[tilespmem:s15], [sflag:$0x1] =	stream.indirect.gather @!p0 [hbm4b:s1+s14], $0x80, s0, s14, $0xb8;
	[tilespmem:$0x1F000] =	vst v63  }
0xe0: {  	s0 =	sadd.s32 @!p0 $0x3000, s0;
	s15 =	simm.s32 @!p0 $0x12800  }
0xe1: {  	[tilespmem:s15], [sflag:$0x6] =	stream.indirect.gather @!p0 [hbm4b:s2+s14], $0x80, s0, s14, $0xb8;
	[tilespmem:$0x1F000] =	vst v63  }
0xe2: {  	_ =	swait.ge [sflag:s9], $0x2800  }
0xe3: {  	[sflag:s9] =	ssyncset.done $0x0  }
0xe4: {  	[sflag:s9] =	ssyncadd.s32 $0xFFFFD800  }
0xe5: {  	_ =	swait.ge [sflag:s10], $0x2800  }
0xe6: {  	[sflag:s10] =	ssyncset.done $0x0  }
0xe7: {  	s23 =	simm.s32 $0x200;
	s0 =	simm.s32 $0x0;
	[sflag:s10] =	ssyncadd.s32 $0xFFFFD800  }
.LBB2_9:
0xe8: {  	p1 =	sne.s32 s23, $0x9E00;
	v0 =	vld [tilespmem:s0+$0x1A070]  }
0xe9: {  	v1 =	vld [tilespmem:s0+$0x1A000]  }
0xea: {  	v2 =	vld [tilespmem:s0+$0x1A010]  }
0xeb: {  	v3 =	vld [tilespmem:s0+$0x1A020]  }
0xec: {  	v4 =	vld [tilespmem:s0+$0x1A030]  }
0xed: {  	[tilespmem:s0+$0xD870] =	vst.add.f32.msk $0xffff, v0  }
0xee: {  	v0 =	vld [tilespmem:s0+$0x1A040]  }
0xef: {  	v5 =	vld [tilespmem:s0+$0x1A050]  }
0xf0: {  	v6 =	vld [tilespmem:s0+$0x1A060]  }
0xf1: {  	[tilespmem:s0+$0xD800] =	vst.add.f32.msk $0xffff, v1  }
0xf2: {  	[tilespmem:s0+$0xD810] =	vst.add.f32.msk $0xffff, v2  }
.Ltmp3:
0xf3: {  	[tilespmem:s0+$0xD820] =	vst.add.f32.msk $0xffff, v3;
	(pc) =	sbr.rel @p1 .LBB2_9-.Ltmp3, $4  }
0xf4: {  	[tilespmem:s0+$0xD830] =	vst.add.f32.msk $0xffff, v4  }
0xf5: {  	[tilespmem:s0+$0xD840] =	vst.add.f32.msk $0xffff, v0  }
0xf6: {  	[tilespmem:s0+$0xD850] =	vst.add.f32.msk $0xffff, v5  }
0xf7: {  	[tilespmem:s0+$0xD860] =	vst.add.f32.msk $0xffff, v6;
	s0 =	sshra.s32 s23, $0x2;
	s23 =	sadd.s32 $0x200, s23  }
0xf8: {  	v0 =	vld [tilespmem:s0+$0x1A070]  }
0xf9: {  	v1 =	vld [tilespmem:s0+$0x1A000]  }
0xfa: {  	v2 =	vld [tilespmem:s0+$0x1A010]  }
0xfb: {  	v3 =	vld [tilespmem:s0+$0x1A020]  }
0xfc: {  	v4 =	vld [tilespmem:s0+$0x1A030]  }
0xfd: {  	v63 =	vld [tilespmem:s0+$0x1A040]  }
0xfe: {  	v5 =	vld [tilespmem:s0+$0x1A050]  }
0xff: {  	v6 =	vld [tilespmem:s0+$0x1A060]  }
0x100: {  	[tilespmem:s0+$0xD870] =	vst.add.f32.msk $0xffff, v0  }
0x101: {  	[tilespmem:s0+$0xD800] =	vst.add.f32.msk $0xffff, v1  }
0x102: {  	[tilespmem:s0+$0xD810] =	vst.add.f32.msk $0xffff, v2  }
0x103: {  	[tilespmem:s0+$0xD820] =	vst.add.f32.msk $0xffff, v3  }
0x104: {  	s14 =	sadd.s32 s8, s25;
	[tilespmem:s0+$0xD830] =	vst.add.f32.msk $0xffff, v4  }
0x105: {  	s14 =	smul.u32 $0x500, s14;
	[tilespmem:s0+$0xD840] =	vst.add.f32.msk $0xffff, v63  }
0x106: {  	[tilespmem:s0+$0xD850] =	vst.add.f32.msk $0xffff, v5  }
0x107: {  	s31 =	simm.s32 $0xD800;
	s26 =	sadd.s32 s4, s14;
	[tilespmem:s0+$0xD860] =	vst.add.f32.msk $0xffff, v6;
	s0 =	sadd.s32 $0x6, s18  }
0x108: {  	[hbm4b:s26+s5] =	stream.linear.scatter [tilespmem:s31], [sflag:$0xE], $0x2800, $0x38;
	[tilespmem:$0x1F000] =	vst v63  }
0x109: {  	s14 =	sand.u32 @!p0 $0x1F, s0  }
0x10a: {  	p1 =	sne.s32 @!p0 s14, $0x0  }
0x10b: {  	s15 =	simm.s32 @!p0 $0xC;
	p2 =	por p1, p0  }
0x10c: {  	_ =	swait.ge @!p0 [sflag:s15], $0x2800;
	p3 =	sgt.u32 @!p2 s16, $0x38  }
0x10d: {  	[sflag:s15] =	ssyncset.done @!p0 $0x0;
	p1 =	por @!p0 p3, p1  }
0x10e: {  	[sflag:s15] =	ssyncadd.s32 @!p0 $0xFFFFD800;
	s15 =	simm.s32 @!p2 $0x10;
	p1 =	por p1, p0  }
0x10f: {  	_ =	swait.ge @!p2 [sflag:s15], $0x1000;
	s23 =	sshrl.u32 @!p1 s0, $0x5  }
0x110: {  	[sflag:s15] =	ssyncset.done @!p2 $0x0;
	s23 =	sadd.s32 @!p1 $0x1, s23  }
0x111: {  	[sflag:s15] =	ssyncadd.s32 @!p2 $0xFFFFF000;
	s15 =	simm.s32 @!p2 $0x11;
	s24 =	smulhi.u32 @!p1 $0x55555556, s23  }
0x112: {  	_ =	swait.ge @!p2 [sflag:s15], $0x1000  }
0x113: {  	[sflag:s15] =	ssyncset.done @!p2 $0x0;
	s25 =	sshll.u32 @!p1 s23, $0xC;
	s24 =	smul.u32 @!p1 $0x3, s24  }
0x114: {  	s0 =	sshrl.u32 @!p0 s0, $0x5;
	[sflag:s15] =	ssyncadd.s32 @!p2 $0xFFFFF000;
	s15 =	sadd.s32 @!p1 s13, s25  }
0x115: {  	s26 =	smulhi.u32 @!p0 $0x55555556, s0;
	s15 =	sshrl.u32 @!p1 s15, $0x3;
	s23 =	ssub.s32 @!p1 s23, s24  }
0x116: {  	s25 =	simm.s32 @!p1 $0x0;
	s24 =	sadd.s32 @!p1 s6, s15;
	s23 =	sshll.u32 @!p1 s23, $0xC  }
0x117: {  	[tilespmem:s23], [sflag:$0x10] =	stream.linear.gather @!p1 [hbm4b:s24+s25], $0x1000, $0x38;
	[tilespmem:$0x1F000] =	vst v63  }
0x118: {  	s15 =	sadd.s32 @!p1 s7, s15;
	s23 =	sadd.s32 @!p1 $0x3000, s23;
	s24 =	smul.u32 @!p0 $0x3, s26  }
0x119: {  	[tilespmem:s23], [sflag:$0x11] =	stream.linear.gather @!p1 [hbm4b:s15+s25], $0x1000, $0x38;
	[tilespmem:$0x1F000] =	vst v63  }
0x11a: {  	s0 =	ssub.s32 @!p0 s0, s24  }
0x11b: {  	s14 =	sshll.u32 @!p0 s14, $0x7;
	s0 =	sshll.u32 @!p0 s0, $0xC  }
0x11c: {  	s15 =	simm.s32 @!p0 $0x8800;
	s0 =	sor.u32 @!p0 s14, s0;
	s14 =	simm.s32 @!p0 $0x50  }
0x11d: {  	[tilespmem:s15], [sflag:$0x2] =	stream.indirect.gather @!p0 [hbm4b:s1+s14], $0x80, s0, s14, $0xb8;
	[tilespmem:$0x1F000] =	vst v63  }
0x11e: {  	s0 =	sadd.s32 @!p0 $0x3000, s0;
	s15 =	simm.s32 @!p0 $0x15000  }
0x11f: {  	[tilespmem:s15], [sflag:$0x7] =	stream.indirect.gather @!p0 [hbm4b:s2+s14], $0x80, s0, s14, $0xb8;
	[tilespmem:$0x1F000] =	vst v63  }
0x120: {  	_ =	swait.ge [sflag:s11], $0x2800  }
0x121: {  	[sflag:s11] =	ssyncset.done $0x0  }
0x122: {  	[sflag:s11] =	ssyncadd.s32 $0xFFFFD800  }
0x123: {  	_ =	swait.ge [sflag:s12], $0x2800  }
0x124: {  	[sflag:s12] =	ssyncset.done $0x0  }
0x125: {  	s23 =	simm.s32 $0x200;
	s0 =	simm.s32 $0x0;
	[sflag:s12] =	ssyncadd.s32 $0xFFFFD800  }
.LBB2_11:
0x126: {  	p1 =	sne.s32 s23, $0x9E00;
	v0 =	vld [tilespmem:s0+$0x1C870]  }
0x127: {  	v1 =	vld [tilespmem:s0+$0x1C800]  }
0x128: {  	v2 =	vld [tilespmem:s0+$0x1C810]  }
0x129: {  	v3 =	vld [tilespmem:s0+$0x1C820]  }
0x12a: {  	v4 =	vld [tilespmem:s0+$0x1C830]  }
0x12b: {  	[tilespmem:s0+$0x10070] =	vst.add.f32.msk $0xffff, v0  }
0x12c: {  	v0 =	vld [tilespmem:s0+$0x1C840]  }
0x12d: {  	v5 =	vld [tilespmem:s0+$0x1C850]  }
0x12e: {  	v6 =	vld [tilespmem:s0+$0x1C860]  }
0x12f: {  	[tilespmem:s0+$0x10000] =	vst.add.f32.msk $0xffff, v1  }
0x130: {  	[tilespmem:s0+$0x10010] =	vst.add.f32.msk $0xffff, v2  }
.Ltmp4:
0x131: {  	[tilespmem:s0+$0x10020] =	vst.add.f32.msk $0xffff, v3;
	(pc) =	sbr.rel @p1 .LBB2_11-.Ltmp4, $4  }
0x132: {  	[tilespmem:s0+$0x10030] =	vst.add.f32.msk $0xffff, v4  }
0x133: {  	[tilespmem:s0+$0x10040] =	vst.add.f32.msk $0xffff, v0  }
0x134: {  	[tilespmem:s0+$0x10050] =	vst.add.f32.msk $0xffff, v5  }
0x135: {  	[tilespmem:s0+$0x10060] =	vst.add.f32.msk $0xffff, v6;
	s0 =	sshra.s32 s23, $0x2;
	s23 =	sadd.s32 $0x200, s23  }
0x136: {  	v0 =	vld [tilespmem:s0+$0x1C870]  }
0x137: {  	v1 =	vld [tilespmem:s0+$0x1C800]  }
0x138: {  	v2 =	vld [tilespmem:s0+$0x1C810]  }
0x139: {  	v3 =	vld [tilespmem:s0+$0x1C820]  }
0x13a: {  	v4 =	vld [tilespmem:s0+$0x1C830]  }
0x13b: {  	v63 =	vld [tilespmem:s0+$0x1C840]  }
0x13c: {  	v5 =	vld [tilespmem:s0+$0x1C850]  }
0x13d: {  	v6 =	vld [tilespmem:s0+$0x1C860]  }
0x13e: {  	[tilespmem:s0+$0x10070] =	vst.add.f32.msk $0xffff, v0  }
0x13f: {  	[tilespmem:s0+$0x10000] =	vst.add.f32.msk $0xffff, v1  }
0x140: {  	[tilespmem:s0+$0x10010] =	vst.add.f32.msk $0xffff, v2  }
0x141: {  	[tilespmem:s0+$0x10020] =	vst.add.f32.msk $0xffff, v3  }
0x142: {  	s14 =	sadd.s32 s8, s19;
	[tilespmem:s0+$0x10030] =	vst.add.f32.msk $0xffff, v4  }
0x143: {  	s14 =	smul.u32 $0x500, s14;
	[tilespmem:s0+$0x10040] =	vst.add.f32.msk $0xffff, v63  }
0x144: {  	[tilespmem:s0+$0x10050] =	vst.add.f32.msk $0xffff, v5  }
0x145: {  	s31 =	sadd.s32 s4, s14;
	[tilespmem:s0+$0x10060] =	vst.add.f32.msk $0xffff, v6;
	s0 =	sadd.s32 $0x7, s18  }
0x146: {  	[hbm4b:s31+s5] =	stream.linear.scatter [tilespmem:s30], [sflag:$0xF], $0x2800, $0x38;
	[tilespmem:$0x1F000] =	vst v63  }
0x147: {  	s14 =	sand.u32 @!p0 $0x1F, s0  }
0x148: {  	p1 =	sne.s32 @!p0 s14, $0x0  }
0x149: {  	s15 =	simm.s32 @!p0 $0xD;
	p2 =	por p1, p0  }
0x14a: {  	_ =	swait.ge @!p0 [sflag:s15], $0x2800;
	p3 =	sgt.u32 @!p2 s16, $0x38  }
0x14b: {  	[sflag:s15] =	ssyncset.done @!p0 $0x0;
	p1 =	por @!p0 p3, p1  }
0x14c: {  	[sflag:s15] =	ssyncadd.s32 @!p0 $0xFFFFD800;
	s15 =	simm.s32 @!p2 $0x10;
	p1 =	por p1, p0  }
0x14d: {  	_ =	swait.ge @!p2 [sflag:s15], $0x1000;
	s18 =	sshrl.u32 @!p1 s0, $0x5  }
0x14e: {  	[sflag:s15] =	ssyncset.done @!p2 $0x0;
	s18 =	sadd.s32 @!p1 $0x1, s18  }
0x14f: {  	[sflag:s15] =	ssyncadd.s32 @!p2 $0xFFFFF000;
	s15 =	simm.s32 @!p2 $0x11;
	s19 =	smulhi.u32 @!p1 $0x55555556, s18  }
0x150: {  	_ =	swait.ge @!p2 [sflag:s15], $0x1000  }
0x151: {  	[sflag:s15] =	ssyncset.done @!p2 $0x0;
	s23 =	sshll.u32 @!p1 s18, $0xC;
	s19 =	smul.u32 @!p1 $0x3, s19  }
0x152: {  	s0 =	sshrl.u32 @!p0 s0, $0x5;
	[sflag:s15] =	ssyncadd.s32 @!p2 $0xFFFFF000;
	s15 =	sadd.s32 @!p1 s13, s23  }
0x153: {  	s24 =	smulhi.u32 @!p0 $0x55555556, s0;
	s15 =	sshrl.u32 @!p1 s15, $0x3;
	s18 =	ssub.s32 @!p1 s18, s19  }
0x154: {  	s23 =	simm.s32 @!p1 $0x0;
	s19 =	sadd.s32 @!p1 s6, s15;
	s18 =	sshll.u32 @!p1 s18, $0xC  }
0x155: {  	[tilespmem:s18], [sflag:$0x10] =	stream.linear.gather @!p1 [hbm4b:s19+s23], $0x1000, $0x38;
	[tilespmem:$0x1F000] =	vst v63  }
0x156: {  	s15 =	sadd.s32 @!p1 s7, s15;
	s18 =	sadd.s32 @!p1 $0x3000, s18;
	s19 =	smul.u32 @!p0 $0x3, s24  }
0x157: {  	[tilespmem:s18], [sflag:$0x11] =	stream.linear.gather @!p1 [hbm4b:s15+s23], $0x1000, $0x38;
	[tilespmem:$0x1F000] =	vst v63  }
0x158: {  	s0 =	ssub.s32 @!p0 s0, s19  }
0x159: {  	s14 =	sshll.u32 @!p0 s14, $0x7;
	s16 =	sadd.s32 @!p0 $0x1, s16;
	s0 =	sshll.u32 @!p0 s0, $0xC  }
0x15a: {  	s15 =	simm.s32 @!p0 $0xB000;
	s0 =	sor.u32 @!p0 s14, s0;
	s14 =	simm.s32 @!p0 $0x50  }
0x15b: {  	[tilespmem:s15], [sflag:$0x3] =	stream.indirect.gather @!p0 [hbm4b:s1+s14], $0x80, s0, s14, $0xb8;
	[tilespmem:$0x1F000] =	vst v63  }
0x15c: {  	p1 =	sne.s32 @!p0 s16, $0x40;
	s0 =	sadd.s32 @!p0 $0x3000, s0;
	s15 =	simm.s32 @!p0 $0x17800  }
0x15d: {  	[tilespmem:s15], [sflag:$0x8] =	stream.indirect.gather @!p0 [hbm4b:s2+s14], $0x80, s0, s14, $0xb8;
	[tilespmem:$0x1F000] =	vst v63  }
0x15e: {  	p0 =	por p0, !p1  }
.Ltmp5:
0x15f: {  	_ = 	snop;
	(pc) =	sbr.rel @!p0 .LBB2_2-.Ltmp5, $1  }
0x160: {  	_ =	sdelay $0x3  }
0x161: {  	s0 =	simm.s32 $0xB  }
0x162: {  	_ =	swait.ge [sflag:s0], $0x2800  }
0x163: {  	[sflag:s0] =	ssyncset.done $0x0  }
0x164: {  	s24 =	simm.s32 $0xC;
	[sflag:s0] =	ssyncadd.s32 $0xFFFFD800  }
0x165: {  	_ =	swait.ge [sflag:s24], $0x2800  }
0x166: {  	[sflag:s24] =	ssyncset.done $0x0  }
0x167: {  	s25 =	simm.s32 $0xD;
	[sflag:s24] =	ssyncadd.s32 $0xFFFFD800  }
0x168: {  	_ =	swait.ge [sflag:s25], $0x2800  }
0x169: {  	[sflag:s25] =	ssyncset.done $0x0  }
0x16a: {  	s26 =	simm.s32 $0xE;
	[sflag:s25] =	ssyncadd.s32 $0xFFFFD800  }
0x16b: {  	_ =	swait.ge [sflag:s26], $0x2800  }
0x16c: {  	[sflag:s26] =	ssyncset.done $0x0  }
0x16d: {  	s14 =	simm.s32 $0xF;
	[sflag:s26] =	ssyncadd.s32 $0xFFFFD800  }
0x16e: {  	_ =	swait.ge [sflag:s14], $0x2800  }
0x16f: {  	s15 =	rddreg [dreg:$0xc]  }
0x170: {  	s31 =	rddreg [dreg:$0xb];
	s15 =	sadd.s32 $0x1, s15  }
0x171: {  	p0 =	sne.s32 s15, s31  }
.Ltmp6:
0x172: {  	_ = 	snop;
	(pc) =	sbr.rel @p0 .LBB2_1-.Ltmp6, $3  }
0x173: {  	_ =	sdelay $0x1  }
0x174: {  	[sflag:s14] =	ssyncset.done $0x0  }
0x175: {  	[sflag:s14] =	ssyncadd.s32 $0xFFFFD800  }
0x176: {  	_ =	sfence.sel $0x180000  }
0x177: {  	[bflag:$0x0] =	sbarrier.arrive $0xFFFF  }
0x178: {  	_ =	strace $0x90000047  }
0x179: {  	s0 =	stileid.u32;
	[bflag:$0x2] =	sbarrier.arrive $0xFFFF  }
0x17a: {  	p0 =	sne.s32 s0, $0x0;
	s0 =	rddreg [dreg:$0x4]  }
0x17b: {  	s0 =	sadd.s32 @!p0 $0x100000, s0  }
0x17c: {  	[sflag:s0] =	ssyncadd.tile.s32 @!p0 $0x1;
	_ =	shalt  }
.Lfunc_end2:
_tile_overlayer_lowered:
.L_overlay_start_2:
0x17d: {  	(tag) =	ssettag $0x2  }
0x17e: {  	s0 =	rddreg [dreg:$0x0];
	s2 =	stileid.u32  }
0x17f: {  	s1 =	rddreg [dreg:$0x1];
	p0 =	sne.s32 s2, $0x0  }
0x180: {  	s3 =	rddreg [dreg:$0x2];
	[bflag:$0x3] =	sbarrier.arrive $0xFFFF;
	s2 =	simm.s32 @!p0 $0x1C12  }
0x181: {  	[timem:s3], [sflag:s2] =	dma.local @!p0 [hbm:s0], s1  }
0x182: {  	s0 =	simm.s32 @!p0 $0x12  }
0x183: {  	_ =	swait.ge @!p0 [sflag:s0], s1  }
0x184: {  	s1 =	ssub.s32 @!p0 $0x0, s1;
	[sflag:s0] =	ssyncset.done @!p0 $0x0  }
0x185: {  	[sflag:s0] =	ssyncadd.s32 @!p0 s1  }
0x186: {  	[bflag:$0x3] =	sbarrier.arrive $0xFFFF  }
0x187: {  	_ =	shalt  }

</sc_bundles>
